<compile_context>
chip_gen: v7x
topology: tpu7x:2x2x1
jax: 0.10.2.dev20260603
libtpu: 0.0.44.dev20260713+nightly
codegen_flags: <defaults>
</compile_context>

<pallas_src>
import functools

import jax
import jax.numpy as jnp
from jax import lax
from jax.experimental import pallas as pl
from jax.experimental.pallas import tpu as pltpu
from jax.experimental.pallas import tpu_sc as plsc


def _combine_block(vs_ref, ls_ref, out_ref):
    out_ref[...] = 0.4 * vs_ref[...] + 0.6 * ls_ref[...]


def _combine_scores(visual_scores, label_scores):
    B, N = visual_scores.shape
    return pl.pallas_call(
        _combine_block,
        out_shape=jax.ShapeDtypeStruct((B, N), jnp.float32),
    )(visual_scores, label_scores)


def _sc_gather(visual_feats, topk_indices):
    B, N, D = visual_feats.shape
    K = topk_indices.shape[1]
    CH = 64
    n_chunks = K // CH
    mesh = plsc.VectorSubcoreMesh(core_axis_name="c", subcore_axis_name="s")

    @functools.partial(
        pl.kernel,
        mesh=mesh,
        out_type=jax.ShapeDtypeStruct((B, K, D), jnp.float32),
        scratch_types=[
            pltpu.VMEM((2, CH), jnp.int32),
            pltpu.VMEM((2, CH, D), jnp.float32),
            pltpu.SemaphoreType.DMA,
            pltpu.SemaphoreType.DMA,
        ],
    )
    def gather_kernel(vf_hbm, idx_hbm, out_hbm, idx_v, rows_v, sem0, sem1):
        wid = lax.axis_index("s") * 2 + lax.axis_index("c")
        row_tbl = vf_hbm.at[wid]
        sems = (sem0, sem1)
        pltpu.sync_copy(idx_hbm.at[wid, pl.ds(0, CH)], idx_v.at[0])
        copies = [pltpu.async_copy(row_tbl.at[idx_v.at[0]], rows_v.at[0],
                                   sems[0])]
        for c in range(1, n_chunks + 1):
            cur, nxt = (c - 1) % 2, c % 2
            if c < n_chunks:
                pltpu.sync_copy(idx_hbm.at[wid, pl.ds(c * CH, CH)],
                                idx_v.at[nxt])
                copies.append(pltpu.async_copy(
                    row_tbl.at[idx_v.at[nxt]], rows_v.at[nxt], sems[nxt]))
            copies[c - 1].wait()
            pltpu.sync_copy(rows_v.at[cur],
                            out_hbm.at[wid, pl.ds((c - 1) * CH, CH)])

    return gather_kernel(visual_feats, topk_indices)


def kernel(visual_feats, label_context, W1, b1, W2, b2, W3, b3, k):
    B, N, D = visual_feats.shape
    h = jnp.maximum(jnp.einsum('bnd,hd->bnh', visual_feats, W1) + b1, 0.0)
    visual_scores = (jnp.einsum('bnh,oh->bno', h, W2) + b2)[..., 0]
    label_proj = (label_context @ W3.T + b3)[:, None, :]

    def _n(x):
        nrm = jnp.sqrt(jnp.sum(x * x, axis=-1, keepdims=True))
        return x / jnp.maximum(nrm, 1e-12)

    label_scores = jnp.sum(_n(visual_feats) * _n(label_proj), axis=-1)
    scores = _combine_scores(visual_scores, label_scores)
    kk = min(512, N)
    topk_scores, topk_indices = lax.top_k(scores, kk)
    selected_feats = _sc_gather(visual_feats, topk_indices)
    return selected_feats, topk_indices

# --- scband reference (transcript-rebuilt; emitter-appended) ---
"""Pipeline reference for scband-label-guided-patch-selector-68092411510808 (READ-ONLY COPY).

The authoritative reference and input builder live on the scoring server;
editing this copy changes nothing except your own understanding.
"""

import jax, jax.numpy as jnp
import numpy as np


def _l2_normalize(x, axis=-1, eps=1e-12):
    norm = jnp.sqrt(jnp.sum(x * x, axis=axis, keepdims=True))
    return x / jnp.maximum(norm, eps)


def setup_inputs(seed: int = 0) -> dict:
    key = jax.random.key(seed)
    ks = jax.random.split(key, 8)
    B, N, D = 32, 4096, 768
    Lctx = 128
    visual_feats = jax.random.normal(ks[0], (B, N, D), dtype=jnp.float32)
    label_context = jax.random.normal(ks[1], (B, Lctx), dtype=jnp.float32)
    # visual_scorer: Linear(768,256) -> ReLU -> Linear(256,1)
    W1 = jax.random.normal(ks[2], (256, D), dtype=jnp.float32) * 0.02
    b1 = jnp.zeros((256,), dtype=jnp.float32)
    W2 = jax.random.normal(ks[3], (1, 256), dtype=jnp.float32) * 0.02
    b2 = jnp.zeros((1,), dtype=jnp.float32)
    # label_visual_proj: Linear(128, 768)
    W3 = jax.random.normal(ks[4], (D, Lctx), dtype=jnp.float32) * 0.02
    b3 = jnp.zeros((D,), dtype=jnp.float32)
    return {
        "visual_feats": visual_feats,
        "label_context": label_context,
        "W1": W1, "b1": b1, "W2": W2, "b2": b2, "W3": W3, "b3": b3,
        "k": 512,
    }


def reference(visual_feats, label_context, W1, b1, W2, b2, W3, b3, k):
    visual_weight = 0.4
    label_weight = 0.6
    temperature = 1.0
    B, N, D = visual_feats.shape
    # visual_scorer MLP
    h = jnp.maximum(jnp.einsum('bnd,hd->bnh', visual_feats, W1) + b1, 0.0)
    visual_scores = (jnp.einsum('bnh,oh->bno', h, W2) + b2)[..., 0]  # [B, N]
    # label projection into visual space
    label_proj = (label_context @ W3.T + b3)[:, None, :]  # [B, 1, D]
    visual_norm = _l2_normalize(visual_feats, axis=-1)
    label_norm = _l2_normalize(label_proj, axis=-1)
    label_scores = jnp.sum(visual_norm * label_norm, axis=-1)  # [B, N]
    combined_scores = (visual_weight * visual_scores + label_weight * label_scores) / temperature
    combined_scores = combined_scores + 0.0 * jnp.asarray(k, dtype=combined_scores.dtype)
    kk = min(512, N)
    topk_scores, topk_indices = jax.lax.top_k(combined_scores, kk)  # [B, k]
    selected_feats = jnp.take_along_axis(visual_feats, topk_indices[:, :, None], axis=1)  # [B, k, D]
    return selected_feats, topk_indices

if __name__ == "__main__":
    import jax
    _d = setup_inputs()
    print(jax.jit(kernel)(*tuple(_d.values())))

</pallas_src>

<mosaic_0001>
#map = affine_map<(d0, d1) -> (0, 0, 0)>
#map1 = affine_map<(d0, d1) -> (0, 0)>
module attributes {stable_mosaic.version = 14 : i64} {
  func.func @gather_kernel(%arg0: i32, %arg1: i32, %arg2: memref<32x4096x768xf32, #tpu.memory_space<hbm>>, %arg3: memref<32x512xi32, #tpu.memory_space<hbm>>, %arg4: memref<32x512x768xf32, #tpu.memory_space<hbm>>, %arg5: memref<2x64xi32, #tpu.memory_space<vmem>>, %arg6: memref<2x64x768xf32, #tpu.memory_space<vmem>>, %arg7: memref<!tpu.dma_semaphore, #tpu.memory_space<semaphore_mem>>, %arg8: memref<!tpu.dma_semaphore, #tpu.memory_space<semaphore_mem>>) attributes {dimension_semantics = [#tpu.dimension_semantics<core_parallel>, #tpu.dimension_semantics<subcore_parallel>], iteration_bounds = array<i64: 2, 16>, scalar_prefetch = 0 : i64, scratch_operands = 4 : i64, tpu.core_type = #tpu.core_type<sc_vector_subcore>, window_params = [{transform_indices = #map}, {transform_indices = #map1}, {transform_indices = #map}]} {
    %mul3A = arith.constant 2 : i32
    %mul3A_0 = arith.muli %arg1, %mul3A : i32
    %add3A = arith.addi %mul3A_0, %arg0 : i32
    %run_scoped3A = arith.constant 0 : i32
    "tpu.region"() ({
      %run_scoped3A_270 = tpu.sem_alloc : memref<!tpu.dma_semaphore, #tpu.memory_space<semaphore_mem>>
      %dma_start3A_271 = arith.constant 0 : i32
      %dma_start3A_272 = tpu.memref_slice %arg5[%run_scoped3A, %dma_start3A_271] : memref<2x64xi32, #tpu.memory_space<vmem>> -> memref<1x64xi32, #tpu.memory_space<vmem>>
      %dma_start3A_273 = tpu.memref_squeeze %dma_start3A_272 : memref<1x64xi32, #tpu.memory_space<vmem>> -> memref<64xi32, #tpu.memory_space<vmem>>
      %dma_start3A_274 = arith.constant 0 : i32
      %dma_start3A_275 = tpu.memref_slice %arg3[%add3A, %dma_start3A_274] : memref<32x512xi32, #tpu.memory_space<hbm>> -> memref<1x64xi32, #tpu.memory_space<hbm>>
      %dma_start3A_276 = tpu.memref_squeeze %dma_start3A_275 : memref<1x64xi32, #tpu.memory_space<hbm>> -> memref<64xi32, #tpu.memory_space<hbm>>
      %dma_start3A_277 = arith.constant 0 : i32
      %dma_start3A_278 = tpu.memref_slice %arg5[%run_scoped3A, %dma_start3A_277] : memref<2x64xi32, #tpu.memory_space<vmem>> -> memref<1x64xi32, #tpu.memory_space<vmem>>
      %dma_start3A_279 = tpu.memref_squeeze %dma_start3A_278 : memref<1x64xi32, #tpu.memory_space<vmem>> -> memref<64xi32, #tpu.memory_space<vmem>>
      %dma_start3A_280 = arith.constant 0 : i32
      %dma_start3A_281 = tpu.memref_slice %arg3[%add3A, %dma_start3A_280] : memref<32x512xi32, #tpu.memory_space<hbm>> -> memref<1x64xi32, #tpu.memory_space<hbm>>
      %dma_start3A_282 = tpu.memref_squeeze %dma_start3A_281 : memref<1x64xi32, #tpu.memory_space<hbm>> -> memref<64xi32, #tpu.memory_space<hbm>>
      tpu.enqueue_dma source(%dma_start3A_282 : memref<64xi32, #tpu.memory_space<hbm>>) target(%dma_start3A_279 : memref<64xi32, #tpu.memory_space<vmem>>) target_semaphore(%run_scoped3A_270 : memref<!tpu.dma_semaphore, #tpu.memory_space<semaphore_mem>>)
      %dma_wait3A_283 = arith.constant 0 : i32
      %dma_wait3A_284 = tpu.memref_slice %arg5[%run_scoped3A, %dma_wait3A_283] : memref<2x64xi32, #tpu.memory_space<vmem>> -> memref<1x64xi32, #tpu.memory_space<vmem>>
      %dma_wait3A_285 = tpu.memref_squeeze %dma_wait3A_284 : memref<1x64xi32, #tpu.memory_space<vmem>> -> memref<64xi32, #tpu.memory_space<vmem>>
      %dma_wait3A_286 = arith.constant 0 : i32
      %dma_wait3A_287 = tpu.memref_slice %arg3[%add3A, %dma_wait3A_286] : memref<32x512xi32, #tpu.memory_space<hbm>> -> memref<1x64xi32, #tpu.memory_space<hbm>>
      %dma_wait3A_288 = tpu.memref_squeeze %dma_wait3A_287 : memref<1x64xi32, #tpu.memory_space<hbm>> -> memref<64xi32, #tpu.memory_space<hbm>>
      %dma_wait3A_289 = arith.constant 0 : i32
      %dma_wait3A_290 = tpu.memref_slice %arg5[%run_scoped3A, %dma_wait3A_289] : memref<2x64xi32, #tpu.memory_space<vmem>> -> memref<1x64xi32, #tpu.memory_space<vmem>>
      %dma_wait3A_291 = tpu.memref_squeeze %dma_wait3A_290 : memref<1x64xi32, #tpu.memory_space<vmem>> -> memref<64xi32, #tpu.memory_space<vmem>>
      %dma_wait3A_292 = arith.constant 0 : i32
      %dma_wait3A_293 = tpu.memref_slice %arg3[%add3A, %dma_wait3A_292] : memref<32x512xi32, #tpu.memory_space<hbm>> -> memref<1x64xi32, #tpu.memory_space<hbm>>
      %dma_wait3A_294 = tpu.memref_squeeze %dma_wait3A_293 : memref<1x64xi32, #tpu.memory_space<hbm>> -> memref<64xi32, #tpu.memory_space<hbm>>
      tpu.wait_dma2 semaphore(%run_scoped3A_270 : memref<!tpu.dma_semaphore, #tpu.memory_space<semaphore_mem>>) src(%dma_wait3A_294 : memref<64xi32, #tpu.memory_space<hbm>>) dst(%dma_wait3A_291 : memref<64xi32, #tpu.memory_space<vmem>>)
      tpu.yield
    }) : () -> ()
    %dma_start3A = arith.constant 0 : i32
    %dma_start3A_1 = arith.constant 0 : i32
    %dma_start3A_2 = arith.constant 0 : i32
    %dma_start3A_3 = arith.constant 0 : i32
    %dma_start3A_4 = tpu.memref_slice %arg6[%dma_start3A_1, %dma_start3A_2, %dma_start3A_3] : memref<2x64x768xf32, #tpu.memory_space<vmem>> -> memref<1x64x768xf32, #tpu.memory_space<vmem>>
    %dma_start3A_5 = tpu.memref_squeeze %dma_start3A_4 : memref<1x64x768xf32, #tpu.memory_space<vmem>> -> memref<64x768xf32, #tpu.memory_space<vmem>>
    %dma_start3A_6 = arith.constant 0 : i32
    %dma_start3A_7 = tpu.memref_slice %arg5[%dma_start3A, %dma_start3A_6] : memref<2x64xi32, #tpu.memory_space<vmem>> -> memref<1x64xi32, #tpu.memory_space<vmem>>
    %dma_start3A_8 = tpu.memref_squeeze %dma_start3A_7 : memref<1x64xi32, #tpu.memory_space<vmem>> -> memref<64xi32, #tpu.memory_space<vmem>>
    %dma_start3A_9 = arith.constant 0 : i32
    %dma_start3A_10 = arith.constant 0 : i32
    %dma_start3A_11 = tpu.memref_slice %arg2[%add3A, %dma_start3A_9, %dma_start3A_10] : memref<32x4096x768xf32, #tpu.memory_space<hbm>> -> memref<1x4096x768xf32, #tpu.memory_space<hbm>>
    %dma_start3A_12 = tpu.memref_squeeze %dma_start3A_11 : memref<1x4096x768xf32, #tpu.memory_space<hbm>> -> memref<4096x768xf32, #tpu.memory_space<hbm>>
    %dma_start3A_13 = arith.constant 0 : i32
    %dma_start3A_14 = arith.constant 0 : i32
    %dma_start3A_15 = tpu.memref_slice %dma_start3A_12[%dma_start3A_13, %dma_start3A_14] : memref<4096x768xf32, #tpu.memory_space<hbm>> -> memref<4096x768xf32, #tpu.memory_space<hbm>>
    tpu.enqueue_indirect_dma source(%dma_start3A_15 : memref<4096x768xf32, #tpu.memory_space<hbm>>) target(%dma_start3A_5 : memref<64x768xf32, #tpu.memory_space<vmem>>) offsets(%dma_start3A_8 : memref<64xi32, #tpu.memory_space<vmem>>) semaphore(%arg7 : memref<!tpu.dma_semaphore, #tpu.memory_space<semaphore_mem>>)
    %run_scoped3A_16 = arith.constant 1 : i32
    "tpu.region"() ({
      %run_scoped3A_270 = tpu.sem_alloc : memref<!tpu.dma_semaphore, #tpu.memory_space<semaphore_mem>>
      %dma_start3A_271 = arith.constant 0 : i32
      %dma_start3A_272 = tpu.memref_slice %arg5[%run_scoped3A_16, %dma_start3A_271] : memref<2x64xi32, #tpu.memory_space<vmem>> -> memref<1x64xi32, #tpu.memory_space<vmem>>
      %dma_start3A_273 = tpu.memref_squeeze %dma_start3A_272 : memref<1x64xi32, #tpu.memory_space<vmem>> -> memref<64xi32, #tpu.memory_space<vmem>>
      %dma_start3A_274 = arith.constant 64 : i32
      %dma_start3A_275 = tpu.memref_slice %arg3[%add3A, %dma_start3A_274] : memref<32x512xi32, #tpu.memory_space<hbm>> -> memref<1x64xi32, #tpu.memory_space<hbm>>
      %dma_start3A_276 = tpu.memref_squeeze %dma_start3A_275 : memref<1x64xi32, #tpu.memory_space<hbm>> -> memref<64xi32, #tpu.memory_space<hbm>>
      %dma_start3A_277 = arith.constant 0 : i32
      %dma_start3A_278 = tpu.memref_slice %arg5[%run_scoped3A_16, %dma_start3A_277] : memref<2x64xi32, #tpu.memory_space<vmem>> -> memref<1x64xi32, #tpu.memory_space<vmem>>
      %dma_start3A_279 = tpu.memref_squeeze %dma_start3A_278 : memref<1x64xi32, #tpu.memory_space<vmem>> -> memref<64xi32, #tpu.memory_space<vmem>>
      %dma_start3A_280 = arith.constant 64 : i32
      %dma_start3A_281 = tpu.memref_slice %arg3[%add3A, %dma_start3A_280] : memref<32x512xi32, #tpu.memory_space<hbm>> -> memref<1x64xi32, #tpu.memory_space<hbm>>
      %dma_start3A_282 = tpu.memref_squeeze %dma_start3A_281 : memref<1x64xi32, #tpu.memory_space<hbm>> -> memref<64xi32, #tpu.memory_space<hbm>>
      tpu.enqueue_dma source(%dma_start3A_282 : memref<64xi32, #tpu.memory_space<hbm>>) target(%dma_start3A_279 : memref<64xi32, #tpu.memory_space<vmem>>) target_semaphore(%run_scoped3A_270 : memref<!tpu.dma_semaphore, #tpu.memory_space<semaphore_mem>>)
      %dma_wait3A_283 = arith.constant 0 : i32
      %dma_wait3A_284 = tpu.memref_slice %arg5[%run_scoped3A_16, %dma_wait3A_283] : memref<2x64xi32, #tpu.memory_space<vmem>> -> memref<1x64xi32, #tpu.memory_space<vmem>>
      %dma_wait3A_285 = tpu.memref_squeeze %dma_wait3A_284 : memref<1x64xi32, #tpu.memory_space<vmem>> -> memref<64xi32, #tpu.memory_space<vmem>>
      %dma_wait3A_286 = arith.constant 64 : i32
      %dma_wait3A_287 = tpu.memref_slice %arg3[%add3A, %dma_wait3A_286] : memref<32x512xi32, #tpu.memory_space<hbm>> -> memref<1x64xi32, #tpu.memory_space<hbm>>
      %dma_wait3A_288 = tpu.memref_squeeze %dma_wait3A_287 : memref<1x64xi32, #tpu.memory_space<hbm>> -> memref<64xi32, #tpu.memory_space<hbm>>
      %dma_wait3A_289 = arith.constant 0 : i32
      %dma_wait3A_290 = tpu.memref_slice %arg5[%run_scoped3A_16, %dma_wait3A_289] : memref<2x64xi32, #tpu.memory_space<vmem>> -> memref<1x64xi32, #tpu.memory_space<vmem>>
      %dma_wait3A_291 = tpu.memref_squeeze %dma_wait3A_290 : memref<1x64xi32, #tpu.memory_space<vmem>> -> memref<64xi32, #tpu.memory_space<vmem>>
      %dma_wait3A_292 = arith.constant 64 : i32
      %dma_wait3A_293 = tpu.memref_slice %arg3[%add3A, %dma_wait3A_292] : memref<32x512xi32, #tpu.memory_space<hbm>> -> memref<1x64xi32, #tpu.memory_space<hbm>>
      %dma_wait3A_294 = tpu.memref_squeeze %dma_wait3A_293 : memref<1x64xi32, #tpu.memory_space<hbm>> -> memref<64xi32, #tpu.memory_space<hbm>>
      tpu.wait_dma2 semaphore(%run_scoped3A_270 : memref<!tpu.dma_semaphore, #tpu.memory_space<semaphore_mem>>) src(%dma_wait3A_294 : memref<64xi32, #tpu.memory_space<hbm>>) dst(%dma_wait3A_291 : memref<64xi32, #tpu.memory_space<vmem>>)
      tpu.yield
    }) : () -> ()
    %dma_start3A_17 = arith.constant 1 : i32
    %dma_start3A_18 = arith.constant 1 : i32
    %dma_start3A_19 = arith.constant 0 : i32
    %dma_start3A_20 = arith.constant 0 : i32
    %dma_start3A_21 = tpu.memref_slice %arg6[%dma_start3A_18, %dma_start3A_19, %dma_start3A_20] : memref<2x64x768xf32, #tpu.memory_space<vmem>> -> memref<1x64x768xf32, #tpu.memory_space<vmem>>
    %dma_start3A_22 = tpu.memref_squeeze %dma_start3A_21 : memref<1x64x768xf32, #tpu.memory_space<vmem>> -> memref<64x768xf32, #tpu.memory_space<vmem>>
    %dma_start3A_23 = arith.constant 0 : i32
    %dma_start3A_24 = tpu.memref_slice %arg5[%dma_start3A_17, %dma_start3A_23] : memref<2x64xi32, #tpu.memory_space<vmem>> -> memref<1x64xi32, #tpu.memory_space<vmem>>
    %dma_start3A_25 = tpu.memref_squeeze %dma_start3A_24 : memref<1x64xi32, #tpu.memory_space<vmem>> -> memref<64xi32, #tpu.memory_space<vmem>>
    %dma_start3A_26 = arith.constant 0 : i32
    %dma_start3A_27 = arith.constant 0 : i32
    %dma_start3A_28 = tpu.memref_slice %arg2[%add3A, %dma_start3A_26, %dma_start3A_27] : memref<32x4096x768xf32, #tpu.memory_space<hbm>> -> memref<1x4096x768xf32, #tpu.memory_space<hbm>>
    %dma_start3A_29 = tpu.memref_squeeze %dma_start3A_28 : memref<1x4096x768xf32, #tpu.memory_space<hbm>> -> memref<4096x768xf32, #tpu.memory_space<hbm>>
    %dma_start3A_30 = arith.constant 0 : i32
    %dma_start3A_31 = arith.constant 0 : i32
    %dma_start3A_32 = tpu.memref_slice %dma_start3A_29[%dma_start3A_30, %dma_start3A_31] : memref<4096x768xf32, #tpu.memory_space<hbm>> -> memref<4096x768xf32, #tpu.memory_space<hbm>>
    tpu.enqueue_indirect_dma source(%dma_start3A_32 : memref<4096x768xf32, #tpu.memory_space<hbm>>) target(%dma_start3A_22 : memref<64x768xf32, #tpu.memory_space<vmem>>) offsets(%dma_start3A_25 : memref<64xi32, #tpu.memory_space<vmem>>) semaphore(%arg8 : memref<!tpu.dma_semaphore, #tpu.memory_space<semaphore_mem>>)
    %dma_wait3A = arith.constant 0 : i32
    %dma_wait3A_33 = arith.constant 0 : i32
    %dma_wait3A_34 = arith.constant 0 : i32
    %dma_wait3A_35 = arith.constant 0 : i32
    %dma_wait3A_36 = tpu.memref_slice %arg6[%dma_wait3A_33, %dma_wait3A_34, %dma_wait3A_35] : memref<2x64x768xf32, #tpu.memory_space<vmem>> -> memref<1x64x768xf32, #tpu.memory_space<vmem>>
    %dma_wait3A_37 = tpu.memref_squeeze %dma_wait3A_36 : memref<1x64x768xf32, #tpu.memory_space<vmem>> -> memref<64x768xf32, #tpu.memory_space<vmem>>
    %dma_wait3A_38 = arith.constant 0 : i32
    %dma_wait3A_39 = tpu.memref_slice %arg5[%dma_wait3A, %dma_wait3A_38] : memref<2x64xi32, #tpu.memory_space<vmem>> -> memref<1x64xi32, #tpu.memory_space<vmem>>
    %dma_wait3A_40 = tpu.memref_squeeze %dma_wait3A_39 : memref<1x64xi32, #tpu.memory_space<vmem>> -> memref<64xi32, #tpu.memory_space<vmem>>
    %dma_wait3A_41 = arith.constant 0 : i32
    %dma_wait3A_42 = arith.constant 0 : i32
    %dma_wait3A_43 = tpu.memref_slice %arg2[%add3A, %dma_wait3A_41, %dma_wait3A_42] : memref<32x4096x768xf32, #tpu.memory_space<hbm>> -> memref<1x4096x768xf32, #tpu.memory_space<hbm>>
    %dma_wait3A_44 = tpu.memref_squeeze %dma_wait3A_43 : memref<1x4096x768xf32, #tpu.memory_space<hbm>> -> memref<4096x768xf32, #tpu.memory_space<hbm>>
    %dma_wait3A_45 = arith.constant 0 : i32
    %dma_wait3A_46 = arith.constant 0 : i32
    %dma_wait3A_47 = tpu.memref_slice %dma_wait3A_44[%dma_wait3A_45, %dma_wait3A_46] : memref<4096x768xf32, #tpu.memory_space<hbm>> -> memref<4096x768xf32, #tpu.memory_space<hbm>>
    tpu.wait_indirect_dma semaphore(%arg7 : memref<!tpu.dma_semaphore, #tpu.memory_space<semaphore_mem>>) src(%dma_wait3A_47 : memref<4096x768xf32, #tpu.memory_space<hbm>>) dst(%dma_wait3A_37 : memref<64x768xf32, #tpu.memory_space<vmem>>)
    %run_scoped3A_48 = arith.constant 0 : i32
    "tpu.region"() ({
      %run_scoped3A_270 = tpu.sem_alloc : memref<!tpu.dma_semaphore, #tpu.memory_space<semaphore_mem>>
      %dma_start3A_271 = arith.constant 0 : i32
      %dma_start3A_272 = arith.constant 0 : i32
      %dma_start3A_273 = tpu.memref_slice %arg6[%run_scoped3A_48, %dma_start3A_271, %dma_start3A_272] : memref<2x64x768xf32, #tpu.memory_space<vmem>> -> memref<1x64x768xf32, #tpu.memory_space<vmem>>
      %dma_start3A_274 = tpu.memref_squeeze %dma_start3A_273 : memref<1x64x768xf32, #tpu.memory_space<vmem>> -> memref<64x768xf32, #tpu.memory_space<vmem>>
      %dma_start3A_275 = arith.constant 0 : i32
      %dma_start3A_276 = arith.constant 0 : i32
      %dma_start3A_277 = tpu.memref_slice %arg4[%add3A, %dma_start3A_275, %dma_start3A_276] : memref<32x512x768xf32, #tpu.memory_space<hbm>> -> memref<1x64x768xf32, #tpu.memory_space<hbm>>
      %dma_start3A_278 = tpu.memref_squeeze %dma_start3A_277 : memref<1x64x768xf32, #tpu.memory_space<hbm>> -> memref<64x768xf32, #tpu.memory_space<hbm>>
      %dma_start3A_279 = arith.constant 0 : i32
      %dma_start3A_280 = arith.constant 0 : i32
      %dma_start3A_281 = tpu.memref_slice %arg4[%add3A, %dma_start3A_279, %dma_start3A_280] : memref<32x512x768xf32, #tpu.memory_space<hbm>> -> memref<1x64x768xf32, #tpu.memory_space<hbm>>
      %dma_start3A_282 = tpu.memref_squeeze %dma_start3A_281 : memref<1x64x768xf32, #tpu.memory_space<hbm>> -> memref<64x768xf32, #tpu.memory_space<hbm>>
      %dma_start3A_283 = arith.constant 0 : i32
      %dma_start3A_284 = arith.constant 0 : i32
      %dma_start3A_285 = tpu.memref_slice %arg6[%run_scoped3A_48, %dma_start3A_283, %dma_start3A_284] : memref<2x64x768xf32, #tpu.memory_space<vmem>> -> memref<1x64x768xf32, #tpu.memory_space<vmem>>
      %dma_start3A_286 = tpu.memref_squeeze %dma_start3A_285 : memref<1x64x768xf32, #tpu.memory_space<vmem>> -> memref<64x768xf32, #tpu.memory_space<vmem>>
      tpu.enqueue_dma source(%dma_start3A_286 : memref<64x768xf32, #tpu.memory_space<vmem>>) target(%dma_start3A_282 : memref<64x768xf32, #tpu.memory_space<hbm>>) target_semaphore(%run_scoped3A_270 : memref<!tpu.dma_semaphore, #tpu.memory_space<semaphore_mem>>)
      %dma_wait3A_287 = arith.constant 0 : i32
      %dma_wait3A_288 = arith.constant 0 : i32
      %dma_wait3A_289 = tpu.memref_slice %arg6[%run_scoped3A_48, %dma_wait3A_287, %dma_wait3A_288] : memref<2x64x768xf32, #tpu.memory_space<vmem>> -> memref<1x64x768xf32, #tpu.memory_space<vmem>>
      %dma_wait3A_290 = tpu.memref_squeeze %dma_wait3A_289 : memref<1x64x768xf32, #tpu.memory_space<vmem>> -> memref<64x768xf32, #tpu.memory_space<vmem>>
      %dma_wait3A_291 = arith.constant 0 : i32
      %dma_wait3A_292 = arith.constant 0 : i32
      %dma_wait3A_293 = tpu.memref_slice %arg4[%add3A, %dma_wait3A_291, %dma_wait3A_292] : memref<32x512x768xf32, #tpu.memory_space<hbm>> -> memref<1x64x768xf32, #tpu.memory_space<hbm>>
      %dma_wait3A_294 = tpu.memref_squeeze %dma_wait3A_293 : memref<1x64x768xf32, #tpu.memory_space<hbm>> -> memref<64x768xf32, #tpu.memory_space<hbm>>
      %dma_wait3A_295 = arith.constant 0 : i32
      %dma_wait3A_296 = arith.constant 0 : i32
      %dma_wait3A_297 = tpu.memref_slice %arg4[%add3A, %dma_wait3A_295, %dma_wait3A_296] : memref<32x512x768xf32, #tpu.memory_space<hbm>> -> memref<1x64x768xf32, #tpu.memory_space<hbm>>
      %dma_wait3A_298 = tpu.memref_squeeze %dma_wait3A_297 : memref<1x64x768xf32, #tpu.memory_space<hbm>> -> memref<64x768xf32, #tpu.memory_space<hbm>>
      %dma_wait3A_299 = arith.constant 0 : i32
      %dma_wait3A_300 = arith.constant 0 : i32
      %dma_wait3A_301 = tpu.memref_slice %arg6[%run_scoped3A_48, %dma_wait3A_299, %dma_wait3A_300] : memref<2x64x768xf32, #tpu.memory_space<vmem>> -> memref<1x64x768xf32, #tpu.memory_space<vmem>>
      %dma_wait3A_302 = tpu.memref_squeeze %dma_wait3A_301 : memref<1x64x768xf32, #tpu.memory_space<vmem>> -> memref<64x768xf32, #tpu.memory_space<vmem>>
      tpu.wait_dma2 semaphore(%run_scoped3A_270 : memref<!tpu.dma_semaphore, #tpu.memory_space<semaphore_mem>>) src(%dma_wait3A_302 : memref<64x768xf32, #tpu.memory_space<vmem>>) dst(%dma_wait3A_298 : memref<64x768xf32, #tpu.memory_space<hbm>>)
      tpu.yield
    }) : () -> ()
    %run_scoped3A_49 = arith.constant 0 : i32
    "tpu.region"() ({
      %run_scoped3A_270 = tpu.sem_alloc : memref<!tpu.dma_semaphore, #tpu.memory_space<semaphore_mem>>
      %dma_start3A_271 = arith.constant 0 : i32
      %dma_start3A_272 = tpu.memref_slice %arg5[%run_scoped3A_49, %dma_start3A_271] : memref<2x64xi32, #tpu.memory_space<vmem>> -> memref<1x64xi32, #tpu.memory_space<vmem>>
      %dma_start3A_273 = tpu.memref_squeeze %dma_start3A_272 : memref<1x64xi32, #tpu.memory_space<vmem>> -> memref<64xi32, #tpu.memory_space<vmem>>
      %dma_start3A_274 = arith.constant 128 : i32
      %dma_start3A_275 = tpu.memref_slice %arg3[%add3A, %dma_start3A_274] : memref<32x512xi32, #tpu.memory_space<hbm>> -> memref<1x64xi32, #tpu.memory_space<hbm>>
      %dma_start3A_276 = tpu.memref_squeeze %dma_start3A_275 : memref<1x64xi32, #tpu.memory_space<hbm>> -> memref<64xi32, #tpu.memory_space<hbm>>
      %dma_start3A_277 = arith.constant 0 : i32
      %dma_start3A_278 = tpu.memref_slice %arg5[%run_scoped3A_49, %dma_start3A_277] : memref<2x64xi32, #tpu.memory_space<vmem>> -> memref<1x64xi32, #tpu.memory_space<vmem>>
      %dma_start3A_279 = tpu.memref_squeeze %dma_start3A_278 : memref<1x64xi32, #tpu.memory_space<vmem>> -> memref<64xi32, #tpu.memory_space<vmem>>
      %dma_start3A_280 = arith.constant 128 : i32
      %dma_start3A_281 = tpu.memref_slice %arg3[%add3A, %dma_start3A_280] : memref<32x512xi32, #tpu.memory_space<hbm>> -> memref<1x64xi32, #tpu.memory_space<hbm>>
      %dma_start3A_282 = tpu.memref_squeeze %dma_start3A_281 : memref<1x64xi32, #tpu.memory_space<hbm>> -> memref<64xi32, #tpu.memory_space<hbm>>
      tpu.enqueue_dma source(%dma_start3A_282 : memref<64xi32, #tpu.memory_space<hbm>>) target(%dma_start3A_279 : memref<64xi32, #tpu.memory_space<vmem>>) target_semaphore(%run_scoped3A_270 : memref<!tpu.dma_semaphore, #tpu.memory_space<semaphore_mem>>)
      %dma_wait3A_283 = arith.constant 0 : i32
      %dma_wait3A_284 = tpu.memref_slice %arg5[%run_scoped3A_49, %dma_wait3A_283] : memref<2x64xi32, #tpu.memory_space<vmem>> -> memref<1x64xi32, #tpu.memory_space<vmem>>
      %dma_wait3A_285 = tpu.memref_squeeze %dma_wait3A_284 : memref<1x64xi32, #tpu.memory_space<vmem>> -> memref<64xi32, #tpu.memory_space<vmem>>
      %dma_wait3A_286 = arith.constant 128 : i32
      %dma_wait3A_287 = tpu.memref_slice %arg3[%add3A, %dma_wait3A_286] : memref<32x512xi32, #tpu.memory_space<hbm>> -> memref<1x64xi32, #tpu.memory_space<hbm>>
      %dma_wait3A_288 = tpu.memref_squeeze %dma_wait3A_287 : memref<1x64xi32, #tpu.memory_space<hbm>> -> memref<64xi32, #tpu.memory_space<hbm>>
      %dma_wait3A_289 = arith.constant 0 : i32
      %dma_wait3A_290 = tpu.memref_slice %arg5[%run_scoped3A_49, %dma_wait3A_289] : memref<2x64xi32, #tpu.memory_space<vmem>> -> memref<1x64xi32, #tpu.memory_space<vmem>>
      %dma_wait3A_291 = tpu.memref_squeeze %dma_wait3A_290 : memref<1x64xi32, #tpu.memory_space<vmem>> -> memref<64xi32, #tpu.memory_space<vmem>>
      %dma_wait3A_292 = arith.constant 128 : i32
      %dma_wait3A_293 = tpu.memref_slice %arg3[%add3A, %dma_wait3A_292] : memref<32x512xi32, #tpu.memory_space<hbm>> -> memref<1x64xi32, #tpu.memory_space<hbm>>
      %dma_wait3A_294 = tpu.memref_squeeze %dma_wait3A_293 : memref<1x64xi32, #tpu.memory_space<hbm>> -> memref<64xi32, #tpu.memory_space<hbm>>
      tpu.wait_dma2 semaphore(%run_scoped3A_270 : memref<!tpu.dma_semaphore, #tpu.memory_space<semaphore_mem>>) src(%dma_wait3A_294 : memref<64xi32, #tpu.memory_space<hbm>>) dst(%dma_wait3A_291 : memref<64xi32, #tpu.memory_space<vmem>>)
      tpu.yield
    }) : () -> ()
    %dma_start3A_50 = arith.constant 0 : i32
    %dma_start3A_51 = arith.constant 0 : i32
    %dma_start3A_52 = arith.constant 0 : i32
    %dma_start3A_53 = arith.constant 0 : i32
    %dma_start3A_54 = tpu.memref_slice %arg6[%dma_start3A_51, %dma_start3A_52, %dma_start3A_53] : memref<2x64x768xf32, #tpu.memory_space<vmem>> -> memref<1x64x768xf32, #tpu.memory_space<vmem>>
    %dma_start3A_55 = tpu.memref_squeeze %dma_start3A_54 : memref<1x64x768xf32, #tpu.memory_space<vmem>> -> memref<64x768xf32, #tpu.memory_space<vmem>>
    %dma_start3A_56 = arith.constant 0 : i32
    %dma_start3A_57 = tpu.memref_slice %arg5[%dma_start3A_50, %dma_start3A_56] : memref<2x64xi32, #tpu.memory_space<vmem>> -> memref<1x64xi32, #tpu.memory_space<vmem>>
    %dma_start3A_58 = tpu.memref_squeeze %dma_start3A_57 : memref<1x64xi32, #tpu.memory_space<vmem>> -> memref<64xi32, #tpu.memory_space<vmem>>
    %dma_start3A_59 = arith.constant 0 : i32
    %dma_start3A_60 = arith.constant 0 : i32
    %dma_start3A_61 = tpu.memref_slice %arg2[%add3A, %dma_start3A_59, %dma_start3A_60] : memref<32x4096x768xf32, #tpu.memory_space<hbm>> -> memref<1x4096x768xf32, #tpu.memory_space<hbm>>
    %dma_start3A_62 = tpu.memref_squeeze %dma_start3A_61 : memref<1x4096x768xf32, #tpu.memory_space<hbm>> -> memref<4096x768xf32, #tpu.memory_space<hbm>>
    %dma_start3A_63 = arith.constant 0 : i32
    %dma_start3A_64 = arith.constant 0 : i32
    %dma_start3A_65 = tpu.memref_slice %dma_start3A_62[%dma_start3A_63, %dma_start3A_64] : memref<4096x768xf32, #tpu.memory_space<hbm>> -> memref<4096x768xf32, #tpu.memory_space<hbm>>
    tpu.enqueue_indirect_dma source(%dma_start3A_65 : memref<4096x768xf32, #tpu.memory_space<hbm>>) target(%dma_start3A_55 : memref<64x768xf32, #tpu.memory_space<vmem>>) offsets(%dma_start3A_58 : memref<64xi32, #tpu.memory_space<vmem>>) semaphore(%arg7 : memref<!tpu.dma_semaphore, #tpu.memory_space<semaphore_mem>>)
    %dma_wait3A_66 = arith.constant 1 : i32
    %dma_wait3A_67 = arith.constant 1 : i32
    %dma_wait3A_68 = arith.constant 0 : i32
    %dma_wait3A_69 = arith.constant 0 : i32
    %dma_wait3A_70 = tpu.memref_slice %arg6[%dma_wait3A_67, %dma_wait3A_68, %dma_wait3A_69] : memref<2x64x768xf32, #tpu.memory_space<vmem>> -> memref<1x64x768xf32, #tpu.memory_space<vmem>>
    %dma_wait3A_71 = tpu.memref_squeeze %dma_wait3A_70 : memref<1x64x768xf32, #tpu.memory_space<vmem>> -> memref<64x768xf32, #tpu.memory_space<vmem>>
    %dma_wait3A_72 = arith.constant 0 : i32
    %dma_wait3A_73 = tpu.memref_slice %arg5[%dma_wait3A_66, %dma_wait3A_72] : memref<2x64xi32, #tpu.memory_space<vmem>> -> memref<1x64xi32, #tpu.memory_space<vmem>>
    %dma_wait3A_74 = tpu.memref_squeeze %dma_wait3A_73 : memref<1x64xi32, #tpu.memory_space<vmem>> -> memref<64xi32, #tpu.memory_space<vmem>>
    %dma_wait3A_75 = arith.constant 0 : i32
    %dma_wait3A_76 = arith.constant 0 : i32
    %dma_wait3A_77 = tpu.memref_slice %arg2[%add3A, %dma_wait3A_75, %dma_wait3A_76] : memref<32x4096x768xf32, #tpu.memory_space<hbm>> -> memref<1x4096x768xf32, #tpu.memory_space<hbm>>
    %dma_wait3A_78 = tpu.memref_squeeze %dma_wait3A_77 : memref<1x4096x768xf32, #tpu.memory_space<hbm>> -> memref<4096x768xf32, #tpu.memory_space<hbm>>
    %dma_wait3A_79 = arith.constant 0 : i32
    %dma_wait3A_80 = arith.constant 0 : i32
    %dma_wait3A_81 = tpu.memref_slice %dma_wait3A_78[%dma_wait3A_79, %dma_wait3A_80] : memref<4096x768xf32, #tpu.memory_space<hbm>> -> memref<4096x768xf32, #tpu.memory_space<hbm>>
    tpu.wait_indirect_dma semaphore(%arg8 : memref<!tpu.dma_semaphore, #tpu.memory_space<semaphore_mem>>) src(%dma_wait3A_81 : memref<4096x768xf32, #tpu.memory_space<hbm>>) dst(%dma_wait3A_71 : memref<64x768xf32, #tpu.memory_space<vmem>>)
    %run_scoped3A_82 = arith.constant 1 : i32
    "tpu.region"() ({
      %run_scoped3A_270 = tpu.sem_alloc : memref<!tpu.dma_semaphore, #tpu.memory_space<semaphore_mem>>
      %dma_start3A_271 = arith.constant 0 : i32
      %dma_start3A_272 = arith.constant 0 : i32
      %dma_start3A_273 = tpu.memref_slice %arg6[%run_scoped3A_82, %dma_start3A_271, %dma_start3A_272] : memref<2x64x768xf32, #tpu.memory_space<vmem>> -> memref<1x64x768xf32, #tpu.memory_space<vmem>>
      %dma_start3A_274 = tpu.memref_squeeze %dma_start3A_273 : memref<1x64x768xf32, #tpu.memory_space<vmem>> -> memref<64x768xf32, #tpu.memory_space<vmem>>
      %dma_start3A_275 = arith.constant 64 : i32
      %dma_start3A_276 = arith.constant 0 : i32
      %dma_start3A_277 = tpu.memref_slice %arg4[%add3A, %dma_start3A_275, %dma_start3A_276] : memref<32x512x768xf32, #tpu.memory_space<hbm>> -> memref<1x64x768xf32, #tpu.memory_space<hbm>>
      %dma_start3A_278 = tpu.memref_squeeze %dma_start3A_277 : memref<1x64x768xf32, #tpu.memory_space<hbm>> -> memref<64x768xf32, #tpu.memory_space<hbm>>
      %dma_start3A_279 = arith.constant 64 : i32
      %dma_start3A_280 = arith.constant 0 : i32
      %dma_start3A_281 = tpu.memref_slice %arg4[%add3A, %dma_start3A_279, %dma_start3A_280] : memref<32x512x768xf32, #tpu.memory_space<hbm>> -> memref<1x64x768xf32, #tpu.memory_space<hbm>>
      %dma_start3A_282 = tpu.memref_squeeze %dma_start3A_281 : memref<1x64x768xf32, #tpu.memory_space<hbm>> -> memref<64x768xf32, #tpu.memory_space<hbm>>
      %dma_start3A_283 = arith.constant 0 : i32
      %dma_start3A_284 = arith.constant 0 : i32
      %dma_start3A_285 = tpu.memref_slice %arg6[%run_scoped3A_82, %dma_start3A_283, %dma_start3A_284] : memref<2x64x768xf32, #tpu.memory_space<vmem>> -> memref<1x64x768xf32, #tpu.memory_space<vmem>>
      %dma_start3A_286 = tpu.memref_squeeze %dma_start3A_285 : memref<1x64x768xf32, #tpu.memory_space<vmem>> -> memref<64x768xf32, #tpu.memory_space<vmem>>
      tpu.enqueue_dma source(%dma_start3A_286 : memref<64x768xf32, #tpu.memory_space<vmem>>) target(%dma_start3A_282 : memref<64x768xf32, #tpu.memory_space<hbm>>) target_semaphore(%run_scoped3A_270 : memref<!tpu.dma_semaphore, #tpu.memory_space<semaphore_mem>>)
      %dma_wait3A_287 = arith.constant 0 : i32
      %dma_wait3A_288 = arith.constant 0 : i32
      %dma_wait3A_289 = tpu.memref_slice %arg6[%run_scoped3A_82, %dma_wait3A_287, %dma_wait3A_288] : memref<2x64x768xf32, #tpu.memory_space<vmem>> -> memref<1x64x768xf32, #tpu.memory_space<vmem>>
      %dma_wait3A_290 = tpu.memref_squeeze %dma_wait3A_289 : memref<1x64x768xf32, #tpu.memory_space<vmem>> -> memref<64x768xf32, #tpu.memory_space<vmem>>
      %dma_wait3A_291 = arith.constant 64 : i32
      %dma_wait3A_292 = arith.constant 0 : i32
      %dma_wait3A_293 = tpu.memref_slice %arg4[%add3A, %dma_wait3A_291, %dma_wait3A_292] : memref<32x512x768xf32, #tpu.memory_space<hbm>> -> memref<1x64x768xf32, #tpu.memory_space<hbm>>
      %dma_wait3A_294 = tpu.memref_squeeze %dma_wait3A_293 : memref<1x64x768xf32, #tpu.memory_space<hbm>> -> memref<64x768xf32, #tpu.memory_space<hbm>>
      %dma_wait3A_295 = arith.constant 64 : i32
      %dma_wait3A_296 = arith.constant 0 : i32
      %dma_wait3A_297 = tpu.memref_slice %arg4[%add3A, %dma_wait3A_295, %dma_wait3A_296] : memref<32x512x768xf32, #tpu.memory_space<hbm>> -> memref<1x64x768xf32, #tpu.memory_space<hbm>>
      %dma_wait3A_298 = tpu.memref_squeeze %dma_wait3A_297 : memref<1x64x768xf32, #tpu.memory_space<hbm>> -> memref<64x768xf32, #tpu.memory_space<hbm>>
      %dma_wait3A_299 = arith.constant 0 : i32
      %dma_wait3A_300 = arith.constant 0 : i32
      %dma_wait3A_301 = tpu.memref_slice %arg6[%run_scoped3A_82, %dma_wait3A_299, %dma_wait3A_300] : memref<2x64x768xf32, #tpu.memory_space<vmem>> -> memref<1x64x768xf32, #tpu.memory_space<vmem>>
      %dma_wait3A_302 = tpu.memref_squeeze %dma_wait3A_301 : memref<1x64x768xf32, #tpu.memory_space<vmem>> -> memref<64x768xf32, #tpu.memory_space<vmem>>
      tpu.wait_dma2 semaphore(%run_scoped3A_270 : memref<!tpu.dma_semaphore, #tpu.memory_space<semaphore_mem>>) src(%dma_wait3A_302 : memref<64x768xf32, #tpu.memory_space<vmem>>) dst(%dma_wait3A_298 : memref<64x768xf32, #tpu.memory_space<hbm>>)
      tpu.yield
    }) : () -> ()
    %run_scoped3A_83 = arith.constant 1 : i32
    "tpu.region"() ({
      %run_scoped3A_270 = tpu.sem_alloc : memref<!tpu.dma_semaphore, #tpu.memory_space<semaphore_mem>>
      %dma_start3A_271 = arith.constant 0 : i32
      %dma_start3A_272 = tpu.memref_slice %arg5[%run_scoped3A_83, %dma_start3A_271] : memref<2x64xi32, #tpu.memory_space<vmem>> -> memref<1x64xi32, #tpu.memory_space<vmem>>
      %dma_start3A_273 = tpu.memref_squeeze %dma_start3A_272 : memref<1x64xi32, #tpu.memory_space<vmem>> -> memref<64xi32, #tpu.memory_space<vmem>>
      %dma_start3A_274 = arith.constant 192 : i32
      %dma_start3A_275 = tpu.memref_slice %arg3[%add3A, %dma_start3A_274] : memref<32x512xi32, #tpu.memory_space<hbm>> -> memref<1x64xi32, #tpu.memory_space<hbm>>
      %dma_start3A_276 = tpu.memref_squeeze %dma_start3A_275 : memref<1x64xi32, #tpu.memory_space<hbm>> -> memref<64xi32, #tpu.memory_space<hbm>>
      %dma_start3A_277 = arith.constant 0 : i32
      %dma_start3A_278 = tpu.memref_slice %arg5[%run_scoped3A_83, %dma_start3A_277] : memref<2x64xi32, #tpu.memory_space<vmem>> -> memref<1x64xi32, #tpu.memory_space<vmem>>
      %dma_start3A_279 = tpu.memref_squeeze %dma_start3A_278 : memref<1x64xi32, #tpu.memory_space<vmem>> -> memref<64xi32, #tpu.memory_space<vmem>>
      %dma_start3A_280 = arith.constant 192 : i32
      %dma_start3A_281 = tpu.memref_slice %arg3[%add3A, %dma_start3A_280] : memref<32x512xi32, #tpu.memory_space<hbm>> -> memref<1x64xi32, #tpu.memory_space<hbm>>
      %dma_start3A_282 = tpu.memref_squeeze %dma_start3A_281 : memref<1x64xi32, #tpu.memory_space<hbm>> -> memref<64xi32, #tpu.memory_space<hbm>>
      tpu.enqueue_dma source(%dma_start3A_282 : memref<64xi32, #tpu.memory_space<hbm>>) target(%dma_start3A_279 : memref<64xi32, #tpu.memory_space<vmem>>) target_semaphore(%run_scoped3A_270 : memref<!tpu.dma_semaphore, #tpu.memory_space<semaphore_mem>>)
      %dma_wait3A_283 = arith.constant 0 : i32
      %dma_wait3A_284 = tpu.memref_slice %arg5[%run_scoped3A_83, %dma_wait3A_283] : memref<2x64xi32, #tpu.memory_space<vmem>> -> memref<1x64xi32, #tpu.memory_space<vmem>>
      %dma_wait3A_285 = tpu.memref_squeeze %dma_wait3A_284 : memref<1x64xi32, #tpu.memory_space<vmem>> -> memref<64xi32, #tpu.memory_space<vmem>>
      %dma_wait3A_286 = arith.constant 192 : i32
      %dma_wait3A_287 = tpu.memref_slice %arg3[%add3A, %dma_wait3A_286] : memref<32x512xi32, #tpu.memory_space<hbm>> -> memref<1x64xi32, #tpu.memory_space<hbm>>
      %dma_wait3A_288 = tpu.memref_squeeze %dma_wait3A_287 : memref<1x64xi32, #tpu.memory_space<hbm>> -> memref<64xi32, #tpu.memory_space<hbm>>
      %dma_wait3A_289 = arith.constant 0 : i32
      %dma_wait3A_290 = tpu.memref_slice %arg5[%run_scoped3A_83, %dma_wait3A_289] : memref<2x64xi32, #tpu.memory_space<vmem>> -> memref<1x64xi32, #tpu.memory_space<vmem>>
      %dma_wait3A_291 = tpu.memref_squeeze %dma_wait3A_290 : memref<1x64xi32, #tpu.memory_space<vmem>> -> memref<64xi32, #tpu.memory_space<vmem>>
      %dma_wait3A_292 = arith.constant 192 : i32
      %dma_wait3A_293 = tpu.memref_slice %arg3[%add3A, %dma_wait3A_292] : memref<32x512xi32, #tpu.memory_space<hbm>> -> memref<1x64xi32, #tpu.memory_space<hbm>>
      %dma_wait3A_294 = tpu.memref_squeeze %dma_wait3A_293 : memref<1x64xi32, #tpu.memory_space<hbm>> -> memref<64xi32, #tpu.memory_space<hbm>>
      tpu.wait_dma2 semaphore(%run_scoped3A_270 : memref<!tpu.dma_semaphore, #tpu.memory_space<semaphore_mem>>) src(%dma_wait3A_294 : memref<64xi32, #tpu.memory_space<hbm>>) dst(%dma_wait3A_291 : memref<64xi32, #tpu.memory_space<vmem>>)
      tpu.yield
    }) : () -> ()
    %dma_start3A_84 = arith.constant 1 : i32
    %dma_start3A_85 = arith.constant 1 : i32
    %dma_start3A_86 = arith.constant 0 : i32
    %dma_start3A_87 = arith.constant 0 : i32
    %dma_start3A_88 = tpu.memref_slice %arg6[%dma_start3A_85, %dma_start3A_86, %dma_start3A_87] : memref<2x64x768xf32, #tpu.memory_space<vmem>> -> memref<1x64x768xf32, #tpu.memory_space<vmem>>
    %dma_start3A_89 = tpu.memref_squeeze %dma_start3A_88 : memref<1x64x768xf32, #tpu.memory_space<vmem>> -> memref<64x768xf32, #tpu.memory_space<vmem>>
    %dma_start3A_90 = arith.constant 0 : i32
    %dma_start3A_91 = tpu.memref_slice %arg5[%dma_start3A_84, %dma_start3A_90] : memref<2x64xi32, #tpu.memory_space<vmem>> -> memref<1x64xi32, #tpu.memory_space<vmem>>
    %dma_start3A_92 = tpu.memref_squeeze %dma_start3A_91 : memref<1x64xi32, #tpu.memory_space<vmem>> -> memref<64xi32, #tpu.memory_space<vmem>>
    %dma_start3A_93 = arith.constant 0 : i32
    %dma_start3A_94 = arith.constant 0 : i32
    %dma_start3A_95 = tpu.memref_slice %arg2[%add3A, %dma_start3A_93, %dma_start3A_94] : memref<32x4096x768xf32, #tpu.memory_space<hbm>> -> memref<1x4096x768xf32, #tpu.memory_space<hbm>>
    %dma_start3A_96 = tpu.memref_squeeze %dma_start3A_95 : memref<1x4096x768xf32, #tpu.memory_space<hbm>> -> memref<4096x768xf32, #tpu.memory_space<hbm>>
    %dma_start3A_97 = arith.constant 0 : i32
    %dma_start3A_98 = arith.constant 0 : i32
    %dma_start3A_99 = tpu.memref_slice %dma_start3A_96[%dma_start3A_97, %dma_start3A_98] : memref<4096x768xf32, #tpu.memory_space<hbm>> -> memref<4096x768xf32, #tpu.memory_space<hbm>>
    tpu.enqueue_indirect_dma source(%dma_start3A_99 : memref<4096x768xf32, #tpu.memory_space<hbm>>) target(%dma_start3A_89 : memref<64x768xf32, #tpu.memory_space<vmem>>) offsets(%dma_start3A_92 : memref<64xi32, #tpu.memory_space<vmem>>) semaphore(%arg8 : memref<!tpu.dma_semaphore, #tpu.memory_space<semaphore_mem>>)
    %dma_wait3A_100 = arith.constant 0 : i32
    %dma_wait3A_101 = arith.constant 0 : i32
    %dma_wait3A_102 = arith.constant 0 : i32
    %dma_wait3A_103 = arith.constant 0 : i32
    %dma_wait3A_104 = tpu.memref_slice %arg6[%dma_wait3A_101, %dma_wait3A_102, %dma_wait3A_103] : memref<2x64x768xf32, #tpu.memory_space<vmem>> -> memref<1x64x768xf32, #tpu.memory_space<vmem>>
    %dma_wait3A_105 = tpu.memref_squeeze %dma_wait3A_104 : memref<1x64x768xf32, #tpu.memory_space<vmem>> -> memref<64x768xf32, #tpu.memory_space<vmem>>
    %dma_wait3A_106 = arith.constant 0 : i32
    %dma_wait3A_107 = tpu.memref_slice %arg5[%dma_wait3A_100, %dma_wait3A_106] : memref<2x64xi32, #tpu.memory_space<vmem>> -> memref<1x64xi32, #tpu.memory_space<vmem>>
    %dma_wait3A_108 = tpu.memref_squeeze %dma_wait3A_107 : memref<1x64xi32, #tpu.memory_space<vmem>> -> memref<64xi32, #tpu.memory_space<vmem>>
    %dma_wait3A_109 = arith.constant 0 : i32
    %dma_wait3A_110 = arith.constant 0 : i32
    %dma_wait3A_111 = tpu.memref_slice %arg2[%add3A, %dma_wait3A_109, %dma_wait3A_110] : memref<32x4096x768xf32, #tpu.memory_space<hbm>> -> memref<1x4096x768xf32, #tpu.memory_space<hbm>>
    %dma_wait3A_112 = tpu.memref_squeeze %dma_wait3A_111 : memref<1x4096x768xf32, #tpu.memory_space<hbm>> -> memref<4096x768xf32, #tpu.memory_space<hbm>>
    %dma_wait3A_113 = arith.constant 0 : i32
    %dma_wait3A_114 = arith.constant 0 : i32
    %dma_wait3A_115 = tpu.memref_slice %dma_wait3A_112[%dma_wait3A_113, %dma_wait3A_114] : memref<4096x768xf32, #tpu.memory_space<hbm>> -> memref<4096x768xf32, #tpu.memory_space<hbm>>
    tpu.wait_indirect_dma semaphore(%arg7 : memref<!tpu.dma_semaphore, #tpu.memory_space<semaphore_mem>>) src(%dma_wait3A_115 : memref<4096x768xf32, #tpu.memory_space<hbm>>) dst(%dma_wait3A_105 : memref<64x768xf32, #tpu.memory_space<vmem>>)
    %run_scoped3A_116 = arith.constant 0 : i32
    "tpu.region"() ({
      %run_scoped3A_270 = tpu.sem_alloc : memref<!tpu.dma_semaphore, #tpu.memory_space<semaphore_mem>>
      %dma_start3A_271 = arith.constant 0 : i32
      %dma_start3A_272 = arith.constant 0 : i32
      %dma_start3A_273 = tpu.memref_slice %arg6[%run_scoped3A_116, %dma_start3A_271, %dma_start3A_272] : memref<2x64x768xf32, #tpu.memory_space<vmem>> -> memref<1x64x768xf32, #tpu.memory_space<vmem>>
      %dma_start3A_274 = tpu.memref_squeeze %dma_start3A_273 : memref<1x64x768xf32, #tpu.memory_space<vmem>> -> memref<64x768xf32, #tpu.memory_space<vmem>>
      %dma_start3A_275 = arith.constant 128 : i32
      %dma_start3A_276 = arith.constant 0 : i32
      %dma_start3A_277 = tpu.memref_slice %arg4[%add3A, %dma_start3A_275, %dma_start3A_276] : memref<32x512x768xf32, #tpu.memory_space<hbm>> -> memref<1x64x768xf32, #tpu.memory_space<hbm>>
      %dma_start3A_278 = tpu.memref_squeeze %dma_start3A_277 : memref<1x64x768xf32, #tpu.memory_space<hbm>> -> memref<64x768xf32, #tpu.memory_space<hbm>>
      %dma_start3A_279 = arith.constant 128 : i32
      %dma_start3A_280 = arith.constant 0 : i32
      %dma_start3A_281 = tpu.memref_slice %arg4[%add3A, %dma_start3A_279, %dma_start3A_280] : memref<32x512x768xf32, #tpu.memory_space<hbm>> -> memref<1x64x768xf32, #tpu.memory_space<hbm>>
      %dma_start3A_282 = tpu.memref_squeeze %dma_start3A_281 : memref<1x64x768xf32, #tpu.memory_space<hbm>> -> memref<64x768xf32, #tpu.memory_space<hbm>>
      %dma_start3A_283 = arith.constant 0 : i32
      %dma_start3A_284 = arith.constant 0 : i32
      %dma_start3A_285 = tpu.memref_slice %arg6[%run_scoped3A_116, %dma_start3A_283, %dma_start3A_284] : memref<2x64x768xf32, #tpu.memory_space<vmem>> -> memref<1x64x768xf32, #tpu.memory_space<vmem>>
      %dma_start3A_286 = tpu.memref_squeeze %dma_start3A_285 : memref<1x64x768xf32, #tpu.memory_space<vmem>> -> memref<64x768xf32, #tpu.memory_space<vmem>>
      tpu.enqueue_dma source(%dma_start3A_286 : memref<64x768xf32, #tpu.memory_space<vmem>>) target(%dma_start3A_282 : memref<64x768xf32, #tpu.memory_space<hbm>>) target_semaphore(%run_scoped3A_270 : memref<!tpu.dma_semaphore, #tpu.memory_space<semaphore_mem>>)
      %dma_wait3A_287 = arith.constant 0 : i32
      %dma_wait3A_288 = arith.constant 0 : i32
      %dma_wait3A_289 = tpu.memref_slice %arg6[%run_scoped3A_116, %dma_wait3A_287, %dma_wait3A_288] : memref<2x64x768xf32, #tpu.memory_space<vmem>> -> memref<1x64x768xf32, #tpu.memory_space<vmem>>
      %dma_wait3A_290 = tpu.memref_squeeze %dma_wait3A_289 : memref<1x64x768xf32, #tpu.memory_space<vmem>> -> memref<64x768xf32, #tpu.memory_space<vmem>>
      %dma_wait3A_291 = arith.constant 128 : i32
      %dma_wait3A_292 = arith.constant 0 : i32
      %dma_wait3A_293 = tpu.memref_slice %arg4[%add3A, %dma_wait3A_291, %dma_wait3A_292] : memref<32x512x768xf32, #tpu.memory_space<hbm>> -> memref<1x64x768xf32, #tpu.memory_space<hbm>>
      %dma_wait3A_294 = tpu.memref_squeeze %dma_wait3A_293 : memref<1x64x768xf32, #tpu.memory_space<hbm>> -> memref<64x768xf32, #tpu.memory_space<hbm>>
      %dma_wait3A_295 = arith.constant 128 : i32
      %dma_wait3A_296 = arith.constant 0 : i32
      %dma_wait3A_297 = tpu.memref_slice %arg4[%add3A, %dma_wait3A_295, %dma_wait3A_296] : memref<32x512x768xf32, #tpu.memory_space<hbm>> -> memref<1x64x768xf32, #tpu.memory_space<hbm>>
      %dma_wait3A_298 = tpu.memref_squeeze %dma_wait3A_297 : memref<1x64x768xf32, #tpu.memory_space<hbm>> -> memref<64x768xf32, #tpu.memory_space<hbm>>
      %dma_wait3A_299 = arith.constant 0 : i32
      %dma_wait3A_300 = arith.constant 0 : i32
      %dma_wait3A_301 = tpu.memref_slice %arg6[%run_scoped3A_116, %dma_wait3A_299, %dma_wait3A_300] : memref<2x64x768xf32, #tpu.memory_space<vmem>> -> memref<1x64x768xf32, #tpu.memory_space<vmem>>
      %dma_wait3A_302 = tpu.memref_squeeze %dma_wait3A_301 : memref<1x64x768xf32, #tpu.memory_space<vmem>> -> memref<64x768xf32, #tpu.memory_space<vmem>>
      tpu.wait_dma2 semaphore(%run_scoped3A_270 : memref<!tpu.dma_semaphore, #tpu.memory_space<semaphore_mem>>) src(%dma_wait3A_302 : memref<64x768xf32, #tpu.memory_space<vmem>>) dst(%dma_wait3A_298 : memref<64x768xf32, #tpu.memory_space<hbm>>)
      tpu.yield
    }) : () -> ()
    %run_scoped3A_117 = arith.constant 0 : i32
    "tpu.region"() ({
      %run_scoped3A_270 = tpu.sem_alloc : memref<!tpu.dma_semaphore, #tpu.memory_space<semaphore_mem>>
      %dma_start3A_271 = arith.constant 0 : i32
      %dma_start3A_272 = tpu.memref_slice %arg5[%run_scoped3A_117, %dma_start3A_271] : memref<2x64xi32, #tpu.memory_space<vmem>> -> memref<1x64xi32, #tpu.memory_space<vmem>>
      %dma_start3A_273 = tpu.memref_squeeze %dma_start3A_272 : memref<1x64xi32, #tpu.memory_space<vmem>> -> memref<64xi32, #tpu.memory_space<vmem>>
      %dma_start3A_274 = arith.constant 256 : i32
      %dma_start3A_275 = tpu.memref_slice %arg3[%add3A, %dma_start3A_274] : memref<32x512xi32, #tpu.memory_space<hbm>> -> memref<1x64xi32, #tpu.memory_space<hbm>>
      %dma_start3A_276 = tpu.memref_squeeze %dma_start3A_275 : memref<1x64xi32, #tpu.memory_space<hbm>> -> memref<64xi32, #tpu.memory_space<hbm>>
      %dma_start3A_277 = arith.constant 0 : i32
      %dma_start3A_278 = tpu.memref_slice %arg5[%run_scoped3A_117, %dma_start3A_277] : memref<2x64xi32, #tpu.memory_space<vmem>> -> memref<1x64xi32, #tpu.memory_space<vmem>>
      %dma_start3A_279 = tpu.memref_squeeze %dma_start3A_278 : memref<1x64xi32, #tpu.memory_space<vmem>> -> memref<64xi32, #tpu.memory_space<vmem>>
      %dma_start3A_280 = arith.constant 256 : i32
      %dma_start3A_281 = tpu.memref_slice %arg3[%add3A, %dma_start3A_280] : memref<32x512xi32, #tpu.memory_space<hbm>> -> memref<1x64xi32, #tpu.memory_space<hbm>>
      %dma_start3A_282 = tpu.memref_squeeze %dma_start3A_281 : memref<1x64xi32, #tpu.memory_space<hbm>> -> memref<64xi32, #tpu.memory_space<hbm>>
      tpu.enqueue_dma source(%dma_start3A_282 : memref<64xi32, #tpu.memory_space<hbm>>) target(%dma_start3A_279 : memref<64xi32, #tpu.memory_space<vmem>>) target_semaphore(%run_scoped3A_270 : memref<!tpu.dma_semaphore, #tpu.memory_space<semaphore_mem>>)
      %dma_wait3A_283 = arith.constant 0 : i32
      %dma_wait3A_284 = tpu.memref_slice %arg5[%run_scoped3A_117, %dma_wait3A_283] : memref<2x64xi32, #tpu.memory_space<vmem>> -> memref<1x64xi32, #tpu.memory_space<vmem>>
      %dma_wait3A_285 = tpu.memref_squeeze %dma_wait3A_284 : memref<1x64xi32, #tpu.memory_space<vmem>> -> memref<64xi32, #tpu.memory_space<vmem>>
      %dma_wait3A_286 = arith.constant 256 : i32
      %dma_wait3A_287 = tpu.memref_slice %arg3[%add3A, %dma_wait3A_286] : memref<32x512xi32, #tpu.memory_space<hbm>> -> memref<1x64xi32, #tpu.memory_space<hbm>>
      %dma_wait3A_288 = tpu.memref_squeeze %dma_wait3A_287 : memref<1x64xi32, #tpu.memory_space<hbm>> -> memref<64xi32, #tpu.memory_space<hbm>>
      %dma_wait3A_289 = arith.constant 0 : i32
      %dma_wait3A_290 = tpu.memref_slice %arg5[%run_scoped3A_117, %dma_wait3A_289] : memref<2x64xi32, #tpu.memory_space<vmem>> -> memref<1x64xi32, #tpu.memory_space<vmem>>
      %dma_wait3A_291 = tpu.memref_squeeze %dma_wait3A_290 : memref<1x64xi32, #tpu.memory_space<vmem>> -> memref<64xi32, #tpu.memory_space<vmem>>
      %dma_wait3A_292 = arith.constant 256 : i32
      %dma_wait3A_293 = tpu.memref_slice %arg3[%add3A, %dma_wait3A_292] : memref<32x512xi32, #tpu.memory_space<hbm>> -> memref<1x64xi32, #tpu.memory_space<hbm>>
      %dma_wait3A_294 = tpu.memref_squeeze %dma_wait3A_293 : memref<1x64xi32, #tpu.memory_space<hbm>> -> memref<64xi32, #tpu.memory_space<hbm>>
      tpu.wait_dma2 semaphore(%run_scoped3A_270 : memref<!tpu.dma_semaphore, #tpu.memory_space<semaphore_mem>>) src(%dma_wait3A_294 : memref<64xi32, #tpu.memory_space<hbm>>) dst(%dma_wait3A_291 : memref<64xi32, #tpu.memory_space<vmem>>)
      tpu.yield
    }) : () -> ()
    %dma_start3A_118 = arith.constant 0 : i32
    %dma_start3A_119 = arith.constant 0 : i32
    %dma_start3A_120 = arith.constant 0 : i32
    %dma_start3A_121 = arith.constant 0 : i32
    %dma_start3A_122 = tpu.memref_slice %arg6[%dma_start3A_119, %dma_start3A_120, %dma_start3A_121] : memref<2x64x768xf32, #tpu.memory_space<vmem>> -> memref<1x64x768xf32, #tpu.memory_space<vmem>>
    %dma_start3A_123 = tpu.memref_squeeze %dma_start3A_122 : memref<1x64x768xf32, #tpu.memory_space<vmem>> -> memref<64x768xf32, #tpu.memory_space<vmem>>
    %dma_start3A_124 = arith.constant 0 : i32
    %dma_start3A_125 = tpu.memref_slice %arg5[%dma_start3A_118, %dma_start3A_124] : memref<2x64xi32, #tpu.memory_space<vmem>> -> memref<1x64xi32, #tpu.memory_space<vmem>>
    %dma_start3A_126 = tpu.memref_squeeze %dma_start3A_125 : memref<1x64xi32, #tpu.memory_space<vmem>> -> memref<64xi32, #tpu.memory_space<vmem>>
    %dma_start3A_127 = arith.constant 0 : i32
    %dma_start3A_128 = arith.constant 0 : i32
    %dma_start3A_129 = tpu.memref_slice %arg2[%add3A, %dma_start3A_127, %dma_start3A_128] : memref<32x4096x768xf32, #tpu.memory_space<hbm>> -> memref<1x4096x768xf32, #tpu.memory_space<hbm>>
    %dma_start3A_130 = tpu.memref_squeeze %dma_start3A_129 : memref<1x4096x768xf32, #tpu.memory_space<hbm>> -> memref<4096x768xf32, #tpu.memory_space<hbm>>
    %dma_start3A_131 = arith.constant 0 : i32
    %dma_start3A_132 = arith.constant 0 : i32
    %dma_start3A_133 = tpu.memref_slice %dma_start3A_130[%dma_start3A_131, %dma_start3A_132] : memref<4096x768xf32, #tpu.memory_space<hbm>> -> memref<4096x768xf32, #tpu.memory_space<hbm>>
    tpu.enqueue_indirect_dma source(%dma_start3A_133 : memref<4096x768xf32, #tpu.memory_space<hbm>>) target(%dma_start3A_123 : memref<64x768xf32, #tpu.memory_space<vmem>>) offsets(%dma_start3A_126 : memref<64xi32, #tpu.memory_space<vmem>>) semaphore(%arg7 : memref<!tpu.dma_semaphore, #tpu.memory_space<semaphore_mem>>)
    %dma_wait3A_134 = arith.constant 1 : i32
    %dma_wait3A_135 = arith.constant 1 : i32
    %dma_wait3A_136 = arith.constant 0 : i32
    %dma_wait3A_137 = arith.constant 0 : i32
    %dma_wait3A_138 = tpu.memref_slice %arg6[%dma_wait3A_135, %dma_wait3A_136, %dma_wait3A_137] : memref<2x64x768xf32, #tpu.memory_space<vmem>> -> memref<1x64x768xf32, #tpu.memory_space<vmem>>
    %dma_wait3A_139 = tpu.memref_squeeze %dma_wait3A_138 : memref<1x64x768xf32, #tpu.memory_space<vmem>> -> memref<64x768xf32, #tpu.memory_space<vmem>>
    %dma_wait3A_140 = arith.constant 0 : i32
    %dma_wait3A_141 = tpu.memref_slice %arg5[%dma_wait3A_134, %dma_wait3A_140] : memref<2x64xi32, #tpu.memory_space<vmem>> -> memref<1x64xi32, #tpu.memory_space<vmem>>
    %dma_wait3A_142 = tpu.memref_squeeze %dma_wait3A_141 : memref<1x64xi32, #tpu.memory_space<vmem>> -> memref<64xi32, #tpu.memory_space<vmem>>
    %dma_wait3A_143 = arith.constant 0 : i32
    %dma_wait3A_144 = arith.constant 0 : i32
    %dma_wait3A_145 = tpu.memref_slice %arg2[%add3A, %dma_wait3A_143, %dma_wait3A_144] : memref<32x4096x768xf32, #tpu.memory_space<hbm>> -> memref<1x4096x768xf32, #tpu.memory_space<hbm>>
    %dma_wait3A_146 = tpu.memref_squeeze %dma_wait3A_145 : memref<1x4096x768xf32, #tpu.memory_space<hbm>> -> memref<4096x768xf32, #tpu.memory_space<hbm>>
    %dma_wait3A_147 = arith.constant 0 : i32
    %dma_wait3A_148 = arith.constant 0 : i32
    %dma_wait3A_149 = tpu.memref_slice %dma_wait3A_146[%dma_wait3A_147, %dma_wait3A_148] : memref<4096x768xf32, #tpu.memory_space<hbm>> -> memref<4096x768xf32, #tpu.memory_space<hbm>>
    tpu.wait_indirect_dma semaphore(%arg8 : memref<!tpu.dma_semaphore, #tpu.memory_space<semaphore_mem>>) src(%dma_wait3A_149 : memref<4096x768xf32, #tpu.memory_space<hbm>>) dst(%dma_wait3A_139 : memref<64x768xf32, #tpu.memory_space<vmem>>)
    %run_scoped3A_150 = arith.constant 1 : i32
    "tpu.region"() ({
      %run_scoped3A_270 = tpu.sem_alloc : memref<!tpu.dma_semaphore, #tpu.memory_space<semaphore_mem>>
      %dma_start3A_271 = arith.constant 0 : i32
      %dma_start3A_272 = arith.constant 0 : i32
      %dma_start3A_273 = tpu.memref_slice %arg6[%run_scoped3A_150, %dma_start3A_271, %dma_start3A_272] : memref<2x64x768xf32, #tpu.memory_space<vmem>> -> memref<1x64x768xf32, #tpu.memory_space<vmem>>
      %dma_start3A_274 = tpu.memref_squeeze %dma_start3A_273 : memref<1x64x768xf32, #tpu.memory_space<vmem>> -> memref<64x768xf32, #tpu.memory_space<vmem>>
      %dma_start3A_275 = arith.constant 192 : i32
      %dma_start3A_276 = arith.constant 0 : i32
      %dma_start3A_277 = tpu.memref_slice %arg4[%add3A, %dma_start3A_275, %dma_start3A_276] : memref<32x512x768xf32, #tpu.memory_space<hbm>> -> memref<1x64x768xf32, #tpu.memory_space<hbm>>
      %dma_start3A_278 = tpu.memref_squeeze %dma_start3A_277 : memref<1x64x768xf32, #tpu.memory_space<hbm>> -> memref<64x768xf32, #tpu.memory_space<hbm>>
      %dma_start3A_279 = arith.constant 192 : i32
      %dma_start3A_280 = arith.constant 0 : i32
      %dma_start3A_281 = tpu.memref_slice %arg4[%add3A, %dma_start3A_279, %dma_start3A_280] : memref<32x512x768xf32, #tpu.memory_space<hbm>> -> memref<1x64x768xf32, #tpu.memory_space<hbm>>
      %dma_start3A_282 = tpu.memref_squeeze %dma_start3A_281 : memref<1x64x768xf32, #tpu.memory_space<hbm>> -> memref<64x768xf32, #tpu.memory_space<hbm>>
      %dma_start3A_283 = arith.constant 0 : i32
      %dma_start3A_284 = arith.constant 0 : i32
      %dma_start3A_285 = tpu.memref_slice %arg6[%run_scoped3A_150, %dma_start3A_283, %dma_start3A_284] : memref<2x64x768xf32, #tpu.memory_space<vmem>> -> memref<1x64x768xf32, #tpu.memory_space<vmem>>
      %dma_start3A_286 = tpu.memref_squeeze %dma_start3A_285 : memref<1x64x768xf32, #tpu.memory_space<vmem>> -> memref<64x768xf32, #tpu.memory_space<vmem>>
      tpu.enqueue_dma source(%dma_start3A_286 : memref<64x768xf32, #tpu.memory_space<vmem>>) target(%dma_start3A_282 : memref<64x768xf32, #tpu.memory_space<hbm>>) target_semaphore(%run_scoped3A_270 : memref<!tpu.dma_semaphore, #tpu.memory_space<semaphore_mem>>)
      %dma_wait3A_287 = arith.constant 0 : i32
      %dma_wait3A_288 = arith.constant 0 : i32
      %dma_wait3A_289 = tpu.memref_slice %arg6[%run_scoped3A_150, %dma_wait3A_287, %dma_wait3A_288] : memref<2x64x768xf32, #tpu.memory_space<vmem>> -> memref<1x64x768xf32, #tpu.memory_space<vmem>>
      %dma_wait3A_290 = tpu.memref_squeeze %dma_wait3A_289 : memref<1x64x768xf32, #tpu.memory_space<vmem>> -> memref<64x768xf32, #tpu.memory_space<vmem>>
      %dma_wait3A_291 = arith.constant 192 : i32
      %dma_wait3A_292 = arith.constant 0 : i32
      %dma_wait3A_293 = tpu.memref_slice %arg4[%add3A, %dma_wait3A_291, %dma_wait3A_292] : memref<32x512x768xf32, #tpu.memory_space<hbm>> -> memref<1x64x768xf32, #tpu.memory_space<hbm>>
      %dma_wait3A_294 = tpu.memref_squeeze %dma_wait3A_293 : memref<1x64x768xf32, #tpu.memory_space<hbm>> -> memref<64x768xf32, #tpu.memory_space<hbm>>
      %dma_wait3A_295 = arith.constant 192 : i32
      %dma_wait3A_296 = arith.constant 0 : i32
      %dma_wait3A_297 = tpu.memref_slice %arg4[%add3A, %dma_wait3A_295, %dma_wait3A_296] : memref<32x512x768xf32, #tpu.memory_space<hbm>> -> memref<1x64x768xf32, #tpu.memory_space<hbm>>
      %dma_wait3A_298 = tpu.memref_squeeze %dma_wait3A_297 : memref<1x64x768xf32, #tpu.memory_space<hbm>> -> memref<64x768xf32, #tpu.memory_space<hbm>>
      %dma_wait3A_299 = arith.constant 0 : i32
      %dma_wait3A_300 = arith.constant 0 : i32
      %dma_wait3A_301 = tpu.memref_slice %arg6[%run_scoped3A_150, %dma_wait3A_299, %dma_wait3A_300] : memref<2x64x768xf32, #tpu.memory_space<vmem>> -> memref<1x64x768xf32, #tpu.memory_space<vmem>>
      %dma_wait3A_302 = tpu.memref_squeeze %dma_wait3A_301 : memref<1x64x768xf32, #tpu.memory_space<vmem>> -> memref<64x768xf32, #tpu.memory_space<vmem>>
      tpu.wait_dma2 semaphore(%run_scoped3A_270 : memref<!tpu.dma_semaphore, #tpu.memory_space<semaphore_mem>>) src(%dma_wait3A_302 : memref<64x768xf32, #tpu.memory_space<vmem>>) dst(%dma_wait3A_298 : memref<64x768xf32, #tpu.memory_space<hbm>>)
      tpu.yield
    }) : () -> ()
    %run_scoped3A_151 = arith.constant 1 : i32
    "tpu.region"() ({
      %run_scoped3A_270 = tpu.sem_alloc : memref<!tpu.dma_semaphore, #tpu.memory_space<semaphore_mem>>
      %dma_start3A_271 = arith.constant 0 : i32
      %dma_start3A_272 = tpu.memref_slice %arg5[%run_scoped3A_151, %dma_start3A_271] : memref<2x64xi32, #tpu.memory_space<vmem>> -> memref<1x64xi32, #tpu.memory_space<vmem>>
      %dma_start3A_273 = tpu.memref_squeeze %dma_start3A_272 : memref<1x64xi32, #tpu.memory_space<vmem>> -> memref<64xi32, #tpu.memory_space<vmem>>
      %dma_start3A_274 = arith.constant 320 : i32
      %dma_start3A_275 = tpu.memref_slice %arg3[%add3A, %dma_start3A_274] : memref<32x512xi32, #tpu.memory_space<hbm>> -> memref<1x64xi32, #tpu.memory_space<hbm>>
      %dma_start3A_276 = tpu.memref_squeeze %dma_start3A_275 : memref<1x64xi32, #tpu.memory_space<hbm>> -> memref<64xi32, #tpu.memory_space<hbm>>
      %dma_start3A_277 = arith.constant 0 : i32
      %dma_start3A_278 = tpu.memref_slice %arg5[%run_scoped3A_151, %dma_start3A_277] : memref<2x64xi32, #tpu.memory_space<vmem>> -> memref<1x64xi32, #tpu.memory_space<vmem>>
      %dma_start3A_279 = tpu.memref_squeeze %dma_start3A_278 : memref<1x64xi32, #tpu.memory_space<vmem>> -> memref<64xi32, #tpu.memory_space<vmem>>
      %dma_start3A_280 = arith.constant 320 : i32
      %dma_start3A_281 = tpu.memref_slice %arg3[%add3A, %dma_start3A_280] : memref<32x512xi32, #tpu.memory_space<hbm>> -> memref<1x64xi32, #tpu.memory_space<hbm>>
      %dma_start3A_282 = tpu.memref_squeeze %dma_start3A_281 : memref<1x64xi32, #tpu.memory_space<hbm>> -> memref<64xi32, #tpu.memory_space<hbm>>
      tpu.enqueue_dma source(%dma_start3A_282 : memref<64xi32, #tpu.memory_space<hbm>>) target(%dma_start3A_279 : memref<64xi32, #tpu.memory_space<vmem>>) target_semaphore(%run_scoped3A_270 : memref<!tpu.dma_semaphore, #tpu.memory_space<semaphore_mem>>)
      %dma_wait3A_283 = arith.constant 0 : i32
      %dma_wait3A_284 = tpu.memref_slice %arg5[%run_scoped3A_151, %dma_wait3A_283] : memref<2x64xi32, #tpu.memory_space<vmem>> -> memref<1x64xi32, #tpu.memory_space<vmem>>
      %dma_wait3A_285 = tpu.memref_squeeze %dma_wait3A_284 : memref<1x64xi32, #tpu.memory_space<vmem>> -> memref<64xi32, #tpu.memory_space<vmem>>
      %dma_wait3A_286 = arith.constant 320 : i32
      %dma_wait3A_287 = tpu.memref_slice %arg3[%add3A, %dma_wait3A_286] : memref<32x512xi32, #tpu.memory_space<hbm>> -> memref<1x64xi32, #tpu.memory_space<hbm>>
      %dma_wait3A_288 = tpu.memref_squeeze %dma_wait3A_287 : memref<1x64xi32, #tpu.memory_space<hbm>> -> memref<64xi32, #tpu.memory_space<hbm>>
      %dma_wait3A_289 = arith.constant 0 : i32
      %dma_wait3A_290 = tpu.memref_slice %arg5[%run_scoped3A_151, %dma_wait3A_289] : memref<2x64xi32, #tpu.memory_space<vmem>> -> memref<1x64xi32, #tpu.memory_space<vmem>>
      %dma_wait3A_291 = tpu.memref_squeeze %dma_wait3A_290 : memref<1x64xi32, #tpu.memory_space<vmem>> -> memref<64xi32, #tpu.memory_space<vmem>>
      %dma_wait3A_292 = arith.constant 320 : i32
      %dma_wait3A_293 = tpu.memref_slice %arg3[%add3A, %dma_wait3A_292] : memref<32x512xi32, #tpu.memory_space<hbm>> -> memref<1x64xi32, #tpu.memory_space<hbm>>
      %dma_wait3A_294 = tpu.memref_squeeze %dma_wait3A_293 : memref<1x64xi32, #tpu.memory_space<hbm>> -> memref<64xi32, #tpu.memory_space<hbm>>
      tpu.wait_dma2 semaphore(%run_scoped3A_270 : memref<!tpu.dma_semaphore, #tpu.memory_space<semaphore_mem>>) src(%dma_wait3A_294 : memref<64xi32, #tpu.memory_space<hbm>>) dst(%dma_wait3A_291 : memref<64xi32, #tpu.memory_space<vmem>>)
      tpu.yield
    }) : () -> ()
    %dma_start3A_152 = arith.constant 1 : i32
    %dma_start3A_153 = arith.constant 1 : i32
    %dma_start3A_154 = arith.constant 0 : i32
    %dma_start3A_155 = arith.constant 0 : i32
    %dma_start3A_156 = tpu.memref_slice %arg6[%dma_start3A_153, %dma_start3A_154, %dma_start3A_155] : memref<2x64x768xf32, #tpu.memory_space<vmem>> -> memref<1x64x768xf32, #tpu.memory_space<vmem>>
    %dma_start3A_157 = tpu.memref_squeeze %dma_start3A_156 : memref<1x64x768xf32, #tpu.memory_space<vmem>> -> memref<64x768xf32, #tpu.memory_space<vmem>>
    %dma_start3A_158 = arith.constant 0 : i32
    %dma_start3A_159 = tpu.memref_slice %arg5[%dma_start3A_152, %dma_start3A_158] : memref<2x64xi32, #tpu.memory_space<vmem>> -> memref<1x64xi32, #tpu.memory_space<vmem>>
    %dma_start3A_160 = tpu.memref_squeeze %dma_start3A_159 : memref<1x64xi32, #tpu.memory_space<vmem>> -> memref<64xi32, #tpu.memory_space<vmem>>
    %dma_start3A_161 = arith.constant 0 : i32
    %dma_start3A_162 = arith.constant 0 : i32
    %dma_start3A_163 = tpu.memref_slice %arg2[%add3A, %dma_start3A_161, %dma_start3A_162] : memref<32x4096x768xf32, #tpu.memory_space<hbm>> -> memref<1x4096x768xf32, #tpu.memory_space<hbm>>
    %dma_start3A_164 = tpu.memref_squeeze %dma_start3A_163 : memref<1x4096x768xf32, #tpu.memory_space<hbm>> -> memref<4096x768xf32, #tpu.memory_space<hbm>>
    %dma_start3A_165 = arith.constant 0 : i32
    %dma_start3A_166 = arith.constant 0 : i32
    %dma_start3A_167 = tpu.memref_slice %dma_start3A_164[%dma_start3A_165, %dma_start3A_166] : memref<4096x768xf32, #tpu.memory_space<hbm>> -> memref<4096x768xf32, #tpu.memory_space<hbm>>
    tpu.enqueue_indirect_dma source(%dma_start3A_167 : memref<4096x768xf32, #tpu.memory_space<hbm>>) target(%dma_start3A_157 : memref<64x768xf32, #tpu.memory_space<vmem>>) offsets(%dma_start3A_160 : memref<64xi32, #tpu.memory_space<vmem>>) semaphore(%arg8 : memref<!tpu.dma_semaphore, #tpu.memory_space<semaphore_mem>>)
    %dma_wait3A_168 = arith.constant 0 : i32
    %dma_wait3A_169 = arith.constant 0 : i32
    %dma_wait3A_170 = arith.constant 0 : i32
    %dma_wait3A_171 = arith.constant 0 : i32
    %dma_wait3A_172 = tpu.memref_slice %arg6[%dma_wait3A_169, %dma_wait3A_170, %dma_wait3A_171] : memref<2x64x768xf32, #tpu.memory_space<vmem>> -> memref<1x64x768xf32, #tpu.memory_space<vmem>>
    %dma_wait3A_173 = tpu.memref_squeeze %dma_wait3A_172 : memref<1x64x768xf32, #tpu.memory_space<vmem>> -> memref<64x768xf32, #tpu.memory_space<vmem>>
    %dma_wait3A_174 = arith.constant 0 : i32
    %dma_wait3A_175 = tpu.memref_slice %arg5[%dma_wait3A_168, %dma_wait3A_174] : memref<2x64xi32, #tpu.memory_space<vmem>> -> memref<1x64xi32, #tpu.memory_space<vmem>>
    %dma_wait3A_176 = tpu.memref_squeeze %dma_wait3A_175 : memref<1x64xi32, #tpu.memory_space<vmem>> -> memref<64xi32, #tpu.memory_space<vmem>>
    %dma_wait3A_177 = arith.constant 0 : i32
    %dma_wait3A_178 = arith.constant 0 : i32
    %dma_wait3A_179 = tpu.memref_slice %arg2[%add3A, %dma_wait3A_177, %dma_wait3A_178] : memref<32x4096x768xf32, #tpu.memory_space<hbm>> -> memref<1x4096x768xf32, #tpu.memory_space<hbm>>
    %dma_wait3A_180 = tpu.memref_squeeze %dma_wait3A_179 : memref<1x4096x768xf32, #tpu.memory_space<hbm>> -> memref<4096x768xf32, #tpu.memory_space<hbm>>
    %dma_wait3A_181 = arith.constant 0 : i32
    %dma_wait3A_182 = arith.constant 0 : i32
    %dma_wait3A_183 = tpu.memref_slice %dma_wait3A_180[%dma_wait3A_181, %dma_wait3A_182] : memref<4096x768xf32, #tpu.memory_space<hbm>> -> memref<4096x768xf32, #tpu.memory_space<hbm>>
    tpu.wait_indirect_dma semaphore(%arg7 : memref<!tpu.dma_semaphore, #tpu.memory_space<semaphore_mem>>) src(%dma_wait3A_183 : memref<4096x768xf32, #tpu.memory_space<hbm>>) dst(%dma_wait3A_173 : memref<64x768xf32, #tpu.memory_space<vmem>>)
    %run_scoped3A_184 = arith.constant 0 : i32
    "tpu.region"() ({
      %run_scoped3A_270 = tpu.sem_alloc : memref<!tpu.dma_semaphore, #tpu.memory_space<semaphore_mem>>
      %dma_start3A_271 = arith.constant 0 : i32
      %dma_start3A_272 = arith.constant 0 : i32
      %dma_start3A_273 = tpu.memref_slice %arg6[%run_scoped3A_184, %dma_start3A_271, %dma_start3A_272] : memref<2x64x768xf32, #tpu.memory_space<vmem>> -> memref<1x64x768xf32, #tpu.memory_space<vmem>>
      %dma_start3A_274 = tpu.memref_squeeze %dma_start3A_273 : memref<1x64x768xf32, #tpu.memory_space<vmem>> -> memref<64x768xf32, #tpu.memory_space<vmem>>
      %dma_start3A_275 = arith.constant 256 : i32
      %dma_start3A_276 = arith.constant 0 : i32
      %dma_start3A_277 = tpu.memref_slice %arg4[%add3A, %dma_start3A_275, %dma_start3A_276] : memref<32x512x768xf32, #tpu.memory_space<hbm>> -> memref<1x64x768xf32, #tpu.memory_space<hbm>>
      %dma_start3A_278 = tpu.memref_squeeze %dma_start3A_277 : memref<1x64x768xf32, #tpu.memory_space<hbm>> -> memref<64x768xf32, #tpu.memory_space<hbm>>
      %dma_start3A_279 = arith.constant 256 : i32
      %dma_start3A_280 = arith.constant 0 : i32
      %dma_start3A_281 = tpu.memref_slice %arg4[%add3A, %dma_start3A_279, %dma_start3A_280] : memref<32x512x768xf32, #tpu.memory_space<hbm>> -> memref<1x64x768xf32, #tpu.memory_space<hbm>>
      %dma_start3A_282 = tpu.memref_squeeze %dma_start3A_281 : memref<1x64x768xf32, #tpu.memory_space<hbm>> -> memref<64x768xf32, #tpu.memory_space<hbm>>
      %dma_start3A_283 = arith.constant 0 : i32
      %dma_start3A_284 = arith.constant 0 : i32
      %dma_start3A_285 = tpu.memref_slice %arg6[%run_scoped3A_184, %dma_start3A_283, %dma_start3A_284] : memref<2x64x768xf32, #tpu.memory_space<vmem>> -> memref<1x64x768xf32, #tpu.memory_space<vmem>>
      %dma_start3A_286 = tpu.memref_squeeze %dma_start3A_285 : memref<1x64x768xf32, #tpu.memory_space<vmem>> -> memref<64x768xf32, #tpu.memory_space<vmem>>
      tpu.enqueue_dma source(%dma_start3A_286 : memref<64x768xf32, #tpu.memory_space<vmem>>) target(%dma_start3A_282 : memref<64x768xf32, #tpu.memory_space<hbm>>) target_semaphore(%run_scoped3A_270 : memref<!tpu.dma_semaphore, #tpu.memory_space<semaphore_mem>>)
      %dma_wait3A_287 = arith.constant 0 : i32
      %dma_wait3A_288 = arith.constant 0 : i32
      %dma_wait3A_289 = tpu.memref_slice %arg6[%run_scoped3A_184, %dma_wait3A_287, %dma_wait3A_288] : memref<2x64x768xf32, #tpu.memory_space<vmem>> -> memref<1x64x768xf32, #tpu.memory_space<vmem>>
      %dma_wait3A_290 = tpu.memref_squeeze %dma_wait3A_289 : memref<1x64x768xf32, #tpu.memory_space<vmem>> -> memref<64x768xf32, #tpu.memory_space<vmem>>
      %dma_wait3A_291 = arith.constant 256 : i32
      %dma_wait3A_292 = arith.constant 0 : i32
      %dma_wait3A_293 = tpu.memref_slice %arg4[%add3A, %dma_wait3A_291, %dma_wait3A_292] : memref<32x512x768xf32, #tpu.memory_space<hbm>> -> memref<1x64x768xf32, #tpu.memory_space<hbm>>
      %dma_wait3A_294 = tpu.memref_squeeze %dma_wait3A_293 : memref<1x64x768xf32, #tpu.memory_space<hbm>> -> memref<64x768xf32, #tpu.memory_space<hbm>>
      %dma_wait3A_295 = arith.constant 256 : i32
      %dma_wait3A_296 = arith.constant 0 : i32
      %dma_wait3A_297 = tpu.memref_slice %arg4[%add3A, %dma_wait3A_295, %dma_wait3A_296] : memref<32x512x768xf32, #tpu.memory_space<hbm>> -> memref<1x64x768xf32, #tpu.memory_space<hbm>>
      %dma_wait3A_298 = tpu.memref_squeeze %dma_wait3A_297 : memref<1x64x768xf32, #tpu.memory_space<hbm>> -> memref<64x768xf32, #tpu.memory_space<hbm>>
      %dma_wait3A_299 = arith.constant 0 : i32
      %dma_wait3A_300 = arith.constant 0 : i32
      %dma_wait3A_301 = tpu.memref_slice %arg6[%run_scoped3A_184, %dma_wait3A_299, %dma_wait3A_300] : memref<2x64x768xf32, #tpu.memory_space<vmem>> -> memref<1x64x768xf32, #tpu.memory_space<vmem>>
      %dma_wait3A_302 = tpu.memref_squeeze %dma_wait3A_301 : memref<1x64x768xf32, #tpu.memory_space<vmem>> -> memref<64x768xf32, #tpu.memory_space<vmem>>
      tpu.wait_dma2 semaphore(%run_scoped3A_270 : memref<!tpu.dma_semaphore, #tpu.memory_space<semaphore_mem>>) src(%dma_wait3A_302 : memref<64x768xf32, #tpu.memory_space<vmem>>) dst(%dma_wait3A_298 : memref<64x768xf32, #tpu.memory_space<hbm>>)
      tpu.yield
    }) : () -> ()
    %run_scoped3A_185 = arith.constant 0 : i32
    "tpu.region"() ({
      %run_scoped3A_270 = tpu.sem_alloc : memref<!tpu.dma_semaphore, #tpu.memory_space<semaphore_mem>>
      %dma_start3A_271 = arith.constant 0 : i32
      %dma_start3A_272 = tpu.memref_slice %arg5[%run_scoped3A_185, %dma_start3A_271] : memref<2x64xi32, #tpu.memory_space<vmem>> -> memref<1x64xi32, #tpu.memory_space<vmem>>
      %dma_start3A_273 = tpu.memref_squeeze %dma_start3A_272 : memref<1x64xi32, #tpu.memory_space<vmem>> -> memref<64xi32, #tpu.memory_space<vmem>>
      %dma_start3A_274 = arith.constant 384 : i32
      %dma_start3A_275 = tpu.memref_slice %arg3[%add3A, %dma_start3A_274] : memref<32x512xi32, #tpu.memory_space<hbm>> -> memref<1x64xi32, #tpu.memory_space<hbm>>
      %dma_start3A_276 = tpu.memref_squeeze %dma_start3A_275 : memref<1x64xi32, #tpu.memory_space<hbm>> -> memref<64xi32, #tpu.memory_space<hbm>>
      %dma_start3A_277 = arith.constant 0 : i32
      %dma_start3A_278 = tpu.memref_slice %arg5[%run_scoped3A_185, %dma_start3A_277] : memref<2x64xi32, #tpu.memory_space<vmem>> -> memref<1x64xi32, #tpu.memory_space<vmem>>
      %dma_start3A_279 = tpu.memref_squeeze %dma_start3A_278 : memref<1x64xi32, #tpu.memory_space<vmem>> -> memref<64xi32, #tpu.memory_space<vmem>>
      %dma_start3A_280 = arith.constant 384 : i32
      %dma_start3A_281 = tpu.memref_slice %arg3[%add3A, %dma_start3A_280] : memref<32x512xi32, #tpu.memory_space<hbm>> -> memref<1x64xi32, #tpu.memory_space<hbm>>
      %dma_start3A_282 = tpu.memref_squeeze %dma_start3A_281 : memref<1x64xi32, #tpu.memory_space<hbm>> -> memref<64xi32, #tpu.memory_space<hbm>>
      tpu.enqueue_dma source(%dma_start3A_282 : memref<64xi32, #tpu.memory_space<hbm>>) target(%dma_start3A_279 : memref<64xi32, #tpu.memory_space<vmem>>) target_semaphore(%run_scoped3A_270 : memref<!tpu.dma_semaphore, #tpu.memory_space<semaphore_mem>>)
      %dma_wait3A_283 = arith.constant 0 : i32
      %dma_wait3A_284 = tpu.memref_slice %arg5[%run_scoped3A_185, %dma_wait3A_283] : memref<2x64xi32, #tpu.memory_space<vmem>> -> memref<1x64xi32, #tpu.memory_space<vmem>>
      %dma_wait3A_285 = tpu.memref_squeeze %dma_wait3A_284 : memref<1x64xi32, #tpu.memory_space<vmem>> -> memref<64xi32, #tpu.memory_space<vmem>>
      %dma_wait3A_286 = arith.constant 384 : i32
      %dma_wait3A_287 = tpu.memref_slice %arg3[%add3A, %dma_wait3A_286] : memref<32x512xi32, #tpu.memory_space<hbm>> -> memref<1x64xi32, #tpu.memory_space<hbm>>
      %dma_wait3A_288 = tpu.memref_squeeze %dma_wait3A_287 : memref<1x64xi32, #tpu.memory_space<hbm>> -> memref<64xi32, #tpu.memory_space<hbm>>
      %dma_wait3A_289 = arith.constant 0 : i32
      %dma_wait3A_290 = tpu.memref_slice %arg5[%run_scoped3A_185, %dma_wait3A_289] : memref<2x64xi32, #tpu.memory_space<vmem>> -> memref<1x64xi32, #tpu.memory_space<vmem>>
      %dma_wait3A_291 = tpu.memref_squeeze %dma_wait3A_290 : memref<1x64xi32, #tpu.memory_space<vmem>> -> memref<64xi32, #tpu.memory_space<vmem>>
      %dma_wait3A_292 = arith.constant 384 : i32
      %dma_wait3A_293 = tpu.memref_slice %arg3[%add3A, %dma_wait3A_292] : memref<32x512xi32, #tpu.memory_space<hbm>> -> memref<1x64xi32, #tpu.memory_space<hbm>>
      %dma_wait3A_294 = tpu.memref_squeeze %dma_wait3A_293 : memref<1x64xi32, #tpu.memory_space<hbm>> -> memref<64xi32, #tpu.memory_space<hbm>>
      tpu.wait_dma2 semaphore(%run_scoped3A_270 : memref<!tpu.dma_semaphore, #tpu.memory_space<semaphore_mem>>) src(%dma_wait3A_294 : memref<64xi32, #tpu.memory_space<hbm>>) dst(%dma_wait3A_291 : memref<64xi32, #tpu.memory_space<vmem>>)
      tpu.yield
    }) : () -> ()
    %dma_start3A_186 = arith.constant 0 : i32
    %dma_start3A_187 = arith.constant 0 : i32
    %dma_start3A_188 = arith.constant 0 : i32
    %dma_start3A_189 = arith.constant 0 : i32
    %dma_start3A_190 = tpu.memref_slice %arg6[%dma_start3A_187, %dma_start3A_188, %dma_start3A_189] : memref<2x64x768xf32, #tpu.memory_space<vmem>> -> memref<1x64x768xf32, #tpu.memory_space<vmem>>
    %dma_start3A_191 = tpu.memref_squeeze %dma_start3A_190 : memref<1x64x768xf32, #tpu.memory_space<vmem>> -> memref<64x768xf32, #tpu.memory_space<vmem>>
    %dma_start3A_192 = arith.constant 0 : i32
    %dma_start3A_193 = tpu.memref_slice %arg5[%dma_start3A_186, %dma_start3A_192] : memref<2x64xi32, #tpu.memory_space<vmem>> -> memref<1x64xi32, #tpu.memory_space<vmem>>
    %dma_start3A_194 = tpu.memref_squeeze %dma_start3A_193 : memref<1x64xi32, #tpu.memory_space<vmem>> -> memref<64xi32, #tpu.memory_space<vmem>>
    %dma_start3A_195 = arith.constant 0 : i32
    %dma_start3A_196 = arith.constant 0 : i32
    %dma_start3A_197 = tpu.memref_slice %arg2[%add3A, %dma_start3A_195, %dma_start3A_196] : memref<32x4096x768xf32, #tpu.memory_space<hbm>> -> memref<1x4096x768xf32, #tpu.memory_space<hbm>>
    %dma_start3A_198 = tpu.memref_squeeze %dma_start3A_197 : memref<1x4096x768xf32, #tpu.memory_space<hbm>> -> memref<4096x768xf32, #tpu.memory_space<hbm>>
    %dma_start3A_199 = arith.constant 0 : i32
    %dma_start3A_200 = arith.constant 0 : i32
    %dma_start3A_201 = tpu.memref_slice %dma_start3A_198[%dma_start3A_199, %dma_start3A_200] : memref<4096x768xf32, #tpu.memory_space<hbm>> -> memref<4096x768xf32, #tpu.memory_space<hbm>>
    tpu.enqueue_indirect_dma source(%dma_start3A_201 : memref<4096x768xf32, #tpu.memory_space<hbm>>) target(%dma_start3A_191 : memref<64x768xf32, #tpu.memory_space<vmem>>) offsets(%dma_start3A_194 : memref<64xi32, #tpu.memory_space<vmem>>) semaphore(%arg7 : memref<!tpu.dma_semaphore, #tpu.memory_space<semaphore_mem>>)
    %dma_wait3A_202 = arith.constant 1 : i32
    %dma_wait3A_203 = arith.constant 1 : i32
    %dma_wait3A_204 = arith.constant 0 : i32
    %dma_wait3A_205 = arith.constant 0 : i32
    %dma_wait3A_206 = tpu.memref_slice %arg6[%dma_wait3A_203, %dma_wait3A_204, %dma_wait3A_205] : memref<2x64x768xf32, #tpu.memory_space<vmem>> -> memref<1x64x768xf32, #tpu.memory_space<vmem>>
    %dma_wait3A_207 = tpu.memref_squeeze %dma_wait3A_206 : memref<1x64x768xf32, #tpu.memory_space<vmem>> -> memref<64x768xf32, #tpu.memory_space<vmem>>
    %dma_wait3A_208 = arith.constant 0 : i32
    %dma_wait3A_209 = tpu.memref_slice %arg5[%dma_wait3A_202, %dma_wait3A_208] : memref<2x64xi32, #tpu.memory_space<vmem>> -> memref<1x64xi32, #tpu.memory_space<vmem>>
    %dma_wait3A_210 = tpu.memref_squeeze %dma_wait3A_209 : memref<1x64xi32, #tpu.memory_space<vmem>> -> memref<64xi32, #tpu.memory_space<vmem>>
    %dma_wait3A_211 = arith.constant 0 : i32
    %dma_wait3A_212 = arith.constant 0 : i32
    %dma_wait3A_213 = tpu.memref_slice %arg2[%add3A, %dma_wait3A_211, %dma_wait3A_212] : memref<32x4096x768xf32, #tpu.memory_space<hbm>> -> memref<1x4096x768xf32, #tpu.memory_space<hbm>>
    %dma_wait3A_214 = tpu.memref_squeeze %dma_wait3A_213 : memref<1x4096x768xf32, #tpu.memory_space<hbm>> -> memref<4096x768xf32, #tpu.memory_space<hbm>>
    %dma_wait3A_215 = arith.constant 0 : i32
    %dma_wait3A_216 = arith.constant 0 : i32
    %dma_wait3A_217 = tpu.memref_slice %dma_wait3A_214[%dma_wait3A_215, %dma_wait3A_216] : memref<4096x768xf32, #tpu.memory_space<hbm>> -> memref<4096x768xf32, #tpu.memory_space<hbm>>
    tpu.wait_indirect_dma semaphore(%arg8 : memref<!tpu.dma_semaphore, #tpu.memory_space<semaphore_mem>>) src(%dma_wait3A_217 : memref<4096x768xf32, #tpu.memory_space<hbm>>) dst(%dma_wait3A_207 : memref<64x768xf32, #tpu.memory_space<vmem>>)
    %run_scoped3A_218 = arith.constant 1 : i32
    "tpu.region"() ({
      %run_scoped3A_270 = tpu.sem_alloc : memref<!tpu.dma_semaphore, #tpu.memory_space<semaphore_mem>>
      %dma_start3A_271 = arith.constant 0 : i32
      %dma_start3A_272 = arith.constant 0 : i32
      %dma_start3A_273 = tpu.memref_slice %arg6[%run_scoped3A_218, %dma_start3A_271, %dma_start3A_272] : memref<2x64x768xf32, #tpu.memory_space<vmem>> -> memref<1x64x768xf32, #tpu.memory_space<vmem>>
      %dma_start3A_274 = tpu.memref_squeeze %dma_start3A_273 : memref<1x64x768xf32, #tpu.memory_space<vmem>> -> memref<64x768xf32, #tpu.memory_space<vmem>>
      %dma_start3A_275 = arith.constant 320 : i32
      %dma_start3A_276 = arith.constant 0 : i32
      %dma_start3A_277 = tpu.memref_slice %arg4[%add3A, %dma_start3A_275, %dma_start3A_276] : memref<32x512x768xf32, #tpu.memory_space<hbm>> -> memref<1x64x768xf32, #tpu.memory_space<hbm>>
      %dma_start3A_278 = tpu.memref_squeeze %dma_start3A_277 : memref<1x64x768xf32, #tpu.memory_space<hbm>> -> memref<64x768xf32, #tpu.memory_space<hbm>>
      %dma_start3A_279 = arith.constant 320 : i32
      %dma_start3A_280 = arith.constant 0 : i32
      %dma_start3A_281 = tpu.memref_slice %arg4[%add3A, %dma_start3A_279, %dma_start3A_280] : memref<32x512x768xf32, #tpu.memory_space<hbm>> -> memref<1x64x768xf32, #tpu.memory_space<hbm>>
      %dma_start3A_282 = tpu.memref_squeeze %dma_start3A_281 : memref<1x64x768xf32, #tpu.memory_space<hbm>> -> memref<64x768xf32, #tpu.memory_space<hbm>>
      %dma_start3A_283 = arith.constant 0 : i32
      %dma_start3A_284 = arith.constant 0 : i32
      %dma_start3A_285 = tpu.memref_slice %arg6[%run_scoped3A_218, %dma_start3A_283, %dma_start3A_284] : memref<2x64x768xf32, #tpu.memory_space<vmem>> -> memref<1x64x768xf32, #tpu.memory_space<vmem>>
      %dma_start3A_286 = tpu.memref_squeeze %dma_start3A_285 : memref<1x64x768xf32, #tpu.memory_space<vmem>> -> memref<64x768xf32, #tpu.memory_space<vmem>>
      tpu.enqueue_dma source(%dma_start3A_286 : memref<64x768xf32, #tpu.memory_space<vmem>>) target(%dma_start3A_282 : memref<64x768xf32, #tpu.memory_space<hbm>>) target_semaphore(%run_scoped3A_270 : memref<!tpu.dma_semaphore, #tpu.memory_space<semaphore_mem>>)
      %dma_wait3A_287 = arith.constant 0 : i32
      %dma_wait3A_288 = arith.constant 0 : i32
      %dma_wait3A_289 = tpu.memref_slice %arg6[%run_scoped3A_218, %dma_wait3A_287, %dma_wait3A_288] : memref<2x64x768xf32, #tpu.memory_space<vmem>> -> memref<1x64x768xf32, #tpu.memory_space<vmem>>
      %dma_wait3A_290 = tpu.memref_squeeze %dma_wait3A_289 : memref<1x64x768xf32, #tpu.memory_space<vmem>> -> memref<64x768xf32, #tpu.memory_space<vmem>>
      %dma_wait3A_291 = arith.constant 320 : i32
      %dma_wait3A_292 = arith.constant 0 : i32
      %dma_wait3A_293 = tpu.memref_slice %arg4[%add3A, %dma_wait3A_291, %dma_wait3A_292] : memref<32x512x768xf32, #tpu.memory_space<hbm>> -> memref<1x64x768xf32, #tpu.memory_space<hbm>>
      %dma_wait3A_294 = tpu.memref_squeeze %dma_wait3A_293 : memref<1x64x768xf32, #tpu.memory_space<hbm>> -> memref<64x768xf32, #tpu.memory_space<hbm>>
      %dma_wait3A_295 = arith.constant 320 : i32
      %dma_wait3A_296 = arith.constant 0 : i32
      %dma_wait3A_297 = tpu.memref_slice %arg4[%add3A, %dma_wait3A_295, %dma_wait3A_296] : memref<32x512x768xf32, #tpu.memory_space<hbm>> -> memref<1x64x768xf32, #tpu.memory_space<hbm>>
      %dma_wait3A_298 = tpu.memref_squeeze %dma_wait3A_297 : memref<1x64x768xf32, #tpu.memory_space<hbm>> -> memref<64x768xf32, #tpu.memory_space<hbm>>
      %dma_wait3A_299 = arith.constant 0 : i32
      %dma_wait3A_300 = arith.constant 0 : i32
      %dma_wait3A_301 = tpu.memref_slice %arg6[%run_scoped3A_218, %dma_wait3A_299, %dma_wait3A_300] : memref<2x64x768xf32, #tpu.memory_space<vmem>> -> memref<1x64x768xf32, #tpu.memory_space<vmem>>
      %dma_wait3A_302 = tpu.memref_squeeze %dma_wait3A_301 : memref<1x64x768xf32, #tpu.memory_space<vmem>> -> memref<64x768xf32, #tpu.memory_space<vmem>>
      tpu.wait_dma2 semaphore(%run_scoped3A_270 : memref<!tpu.dma_semaphore, #tpu.memory_space<semaphore_mem>>) src(%dma_wait3A_302 : memref<64x768xf32, #tpu.memory_space<vmem>>) dst(%dma_wait3A_298 : memref<64x768xf32, #tpu.memory_space<hbm>>)
      tpu.yield
    }) : () -> ()
    %run_scoped3A_219 = arith.constant 1 : i32
    "tpu.region"() ({
      %run_scoped3A_270 = tpu.sem_alloc : memref<!tpu.dma_semaphore, #tpu.memory_space<semaphore_mem>>
      %dma_start3A_271 = arith.constant 0 : i32
      %dma_start3A_272 = tpu.memref_slice %arg5[%run_scoped3A_219, %dma_start3A_271] : memref<2x64xi32, #tpu.memory_space<vmem>> -> memref<1x64xi32, #tpu.memory_space<vmem>>
      %dma_start3A_273 = tpu.memref_squeeze %dma_start3A_272 : memref<1x64xi32, #tpu.memory_space<vmem>> -> memref<64xi32, #tpu.memory_space<vmem>>
      %dma_start3A_274 = arith.constant 448 : i32
      %dma_start3A_275 = tpu.memref_slice %arg3[%add3A, %dma_start3A_274] : memref<32x512xi32, #tpu.memory_space<hbm>> -> memref<1x64xi32, #tpu.memory_space<hbm>>
      %dma_start3A_276 = tpu.memref_squeeze %dma_start3A_275 : memref<1x64xi32, #tpu.memory_space<hbm>> -> memref<64xi32, #tpu.memory_space<hbm>>
      %dma_start3A_277 = arith.constant 0 : i32
      %dma_start3A_278 = tpu.memref_slice %arg5[%run_scoped3A_219, %dma_start3A_277] : memref<2x64xi32, #tpu.memory_space<vmem>> -> memref<1x64xi32, #tpu.memory_space<vmem>>
      %dma_start3A_279 = tpu.memref_squeeze %dma_start3A_278 : memref<1x64xi32, #tpu.memory_space<vmem>> -> memref<64xi32, #tpu.memory_space<vmem>>
      %dma_start3A_280 = arith.constant 448 : i32
      %dma_start3A_281 = tpu.memref_slice %arg3[%add3A, %dma_start3A_280] : memref<32x512xi32, #tpu.memory_space<hbm>> -> memref<1x64xi32, #tpu.memory_space<hbm>>
      %dma_start3A_282 = tpu.memref_squeeze %dma_start3A_281 : memref<1x64xi32, #tpu.memory_space<hbm>> -> memref<64xi32, #tpu.memory_space<hbm>>
      tpu.enqueue_dma source(%dma_start3A_282 : memref<64xi32, #tpu.memory_space<hbm>>) target(%dma_start3A_279 : memref<64xi32, #tpu.memory_space<vmem>>) target_semaphore(%run_scoped3A_270 : memref<!tpu.dma_semaphore, #tpu.memory_space<semaphore_mem>>)
      %dma_wait3A_283 = arith.constant 0 : i32
      %dma_wait3A_284 = tpu.memref_slice %arg5[%run_scoped3A_219, %dma_wait3A_283] : memref<2x64xi32, #tpu.memory_space<vmem>> -> memref<1x64xi32, #tpu.memory_space<vmem>>
      %dma_wait3A_285 = tpu.memref_squeeze %dma_wait3A_284 : memref<1x64xi32, #tpu.memory_space<vmem>> -> memref<64xi32, #tpu.memory_space<vmem>>
      %dma_wait3A_286 = arith.constant 448 : i32
      %dma_wait3A_287 = tpu.memref_slice %arg3[%add3A, %dma_wait3A_286] : memref<32x512xi32, #tpu.memory_space<hbm>> -> memref<1x64xi32, #tpu.memory_space<hbm>>
      %dma_wait3A_288 = tpu.memref_squeeze %dma_wait3A_287 : memref<1x64xi32, #tpu.memory_space<hbm>> -> memref<64xi32, #tpu.memory_space<hbm>>
      %dma_wait3A_289 = arith.constant 0 : i32
      %dma_wait3A_290 = tpu.memref_slice %arg5[%run_scoped3A_219, %dma_wait3A_289] : memref<2x64xi32, #tpu.memory_space<vmem>> -> memref<1x64xi32, #tpu.memory_space<vmem>>
      %dma_wait3A_291 = tpu.memref_squeeze %dma_wait3A_290 : memref<1x64xi32, #tpu.memory_space<vmem>> -> memref<64xi32, #tpu.memory_space<vmem>>
      %dma_wait3A_292 = arith.constant 448 : i32
      %dma_wait3A_293 = tpu.memref_slice %arg3[%add3A, %dma_wait3A_292] : memref<32x512xi32, #tpu.memory_space<hbm>> -> memref<1x64xi32, #tpu.memory_space<hbm>>
      %dma_wait3A_294 = tpu.memref_squeeze %dma_wait3A_293 : memref<1x64xi32, #tpu.memory_space<hbm>> -> memref<64xi32, #tpu.memory_space<hbm>>
      tpu.wait_dma2 semaphore(%run_scoped3A_270 : memref<!tpu.dma_semaphore, #tpu.memory_space<semaphore_mem>>) src(%dma_wait3A_294 : memref<64xi32, #tpu.memory_space<hbm>>) dst(%dma_wait3A_291 : memref<64xi32, #tpu.memory_space<vmem>>)
      tpu.yield
    }) : () -> ()
    %dma_start3A_220 = arith.constant 1 : i32
    %dma_start3A_221 = arith.constant 1 : i32
    %dma_start3A_222 = arith.constant 0 : i32
    %dma_start3A_223 = arith.constant 0 : i32
    %dma_start3A_224 = tpu.memref_slice %arg6[%dma_start3A_221, %dma_start3A_222, %dma_start3A_223] : memref<2x64x768xf32, #tpu.memory_space<vmem>> -> memref<1x64x768xf32, #tpu.memory_space<vmem>>
    %dma_start3A_225 = tpu.memref_squeeze %dma_start3A_224 : memref<1x64x768xf32, #tpu.memory_space<vmem>> -> memref<64x768xf32, #tpu.memory_space<vmem>>
    %dma_start3A_226 = arith.constant 0 : i32
    %dma_start3A_227 = tpu.memref_slice %arg5[%dma_start3A_220, %dma_start3A_226] : memref<2x64xi32, #tpu.memory_space<vmem>> -> memref<1x64xi32, #tpu.memory_space<vmem>>
    %dma_start3A_228 = tpu.memref_squeeze %dma_start3A_227 : memref<1x64xi32, #tpu.memory_space<vmem>> -> memref<64xi32, #tpu.memory_space<vmem>>
    %dma_start3A_229 = arith.constant 0 : i32
    %dma_start3A_230 = arith.constant 0 : i32
    %dma_start3A_231 = tpu.memref_slice %arg2[%add3A, %dma_start3A_229, %dma_start3A_230] : memref<32x4096x768xf32, #tpu.memory_space<hbm>> -> memref<1x4096x768xf32, #tpu.memory_space<hbm>>
    %dma_start3A_232 = tpu.memref_squeeze %dma_start3A_231 : memref<1x4096x768xf32, #tpu.memory_space<hbm>> -> memref<4096x768xf32, #tpu.memory_space<hbm>>
    %dma_start3A_233 = arith.constant 0 : i32
    %dma_start3A_234 = arith.constant 0 : i32
    %dma_start3A_235 = tpu.memref_slice %dma_start3A_232[%dma_start3A_233, %dma_start3A_234] : memref<4096x768xf32, #tpu.memory_space<hbm>> -> memref<4096x768xf32, #tpu.memory_space<hbm>>
    tpu.enqueue_indirect_dma source(%dma_start3A_235 : memref<4096x768xf32, #tpu.memory_space<hbm>>) target(%dma_start3A_225 : memref<64x768xf32, #tpu.memory_space<vmem>>) offsets(%dma_start3A_228 : memref<64xi32, #tpu.memory_space<vmem>>) semaphore(%arg8 : memref<!tpu.dma_semaphore, #tpu.memory_space<semaphore_mem>>)
    %dma_wait3A_236 = arith.constant 0 : i32
    %dma_wait3A_237 = arith.constant 0 : i32
    %dma_wait3A_238 = arith.constant 0 : i32
    %dma_wait3A_239 = arith.constant 0 : i32
    %dma_wait3A_240 = tpu.memref_slice %arg6[%dma_wait3A_237, %dma_wait3A_238, %dma_wait3A_239] : memref<2x64x768xf32, #tpu.memory_space<vmem>> -> memref<1x64x768xf32, #tpu.memory_space<vmem>>
    %dma_wait3A_241 = tpu.memref_squeeze %dma_wait3A_240 : memref<1x64x768xf32, #tpu.memory_space<vmem>> -> memref<64x768xf32, #tpu.memory_space<vmem>>
    %dma_wait3A_242 = arith.constant 0 : i32
    %dma_wait3A_243 = tpu.memref_slice %arg5[%dma_wait3A_236, %dma_wait3A_242] : memref<2x64xi32, #tpu.memory_space<vmem>> -> memref<1x64xi32, #tpu.memory_space<vmem>>
    %dma_wait3A_244 = tpu.memref_squeeze %dma_wait3A_243 : memref<1x64xi32, #tpu.memory_space<vmem>> -> memref<64xi32, #tpu.memory_space<vmem>>
    %dma_wait3A_245 = arith.constant 0 : i32
    %dma_wait3A_246 = arith.constant 0 : i32
    %dma_wait3A_247 = tpu.memref_slice %arg2[%add3A, %dma_wait3A_245, %dma_wait3A_246] : memref<32x4096x768xf32, #tpu.memory_space<hbm>> -> memref<1x4096x768xf32, #tpu.memory_space<hbm>>
    %dma_wait3A_248 = tpu.memref_squeeze %dma_wait3A_247 : memref<1x4096x768xf32, #tpu.memory_space<hbm>> -> memref<4096x768xf32, #tpu.memory_space<hbm>>
    %dma_wait3A_249 = arith.constant 0 : i32
    %dma_wait3A_250 = arith.constant 0 : i32
    %dma_wait3A_251 = tpu.memref_slice %dma_wait3A_248[%dma_wait3A_249, %dma_wait3A_250] : memref<4096x768xf32, #tpu.memory_space<hbm>> -> memref<4096x768xf32, #tpu.memory_space<hbm>>
    tpu.wait_indirect_dma semaphore(%arg7 : memref<!tpu.dma_semaphore, #tpu.memory_space<semaphore_mem>>) src(%dma_wait3A_251 : memref<4096x768xf32, #tpu.memory_space<hbm>>) dst(%dma_wait3A_241 : memref<64x768xf32, #tpu.memory_space<vmem>>)
    %run_scoped3A_252 = arith.constant 0 : i32
    "tpu.region"() ({
      %run_scoped3A_270 = tpu.sem_alloc : memref<!tpu.dma_semaphore, #tpu.memory_space<semaphore_mem>>
      %dma_start3A_271 = arith.constant 0 : i32
      %dma_start3A_272 = arith.constant 0 : i32
      %dma_start3A_273 = tpu.memref_slice %arg6[%run_scoped3A_252, %dma_start3A_271, %dma_start3A_272] : memref<2x64x768xf32, #tpu.memory_space<vmem>> -> memref<1x64x768xf32, #tpu.memory_space<vmem>>
      %dma_start3A_274 = tpu.memref_squeeze %dma_start3A_273 : memref<1x64x768xf32, #tpu.memory_space<vmem>> -> memref<64x768xf32, #tpu.memory_space<vmem>>
      %dma_start3A_275 = arith.constant 384 : i32
      %dma_start3A_276 = arith.constant 0 : i32
      %dma_start3A_277 = tpu.memref_slice %arg4[%add3A, %dma_start3A_275, %dma_start3A_276] : memref<32x512x768xf32, #tpu.memory_space<hbm>> -> memref<1x64x768xf32, #tpu.memory_space<hbm>>
      %dma_start3A_278 = tpu.memref_squeeze %dma_start3A_277 : memref<1x64x768xf32, #tpu.memory_space<hbm>> -> memref<64x768xf32, #tpu.memory_space<hbm>>
      %dma_start3A_279 = arith.constant 384 : i32
      %dma_start3A_280 = arith.constant 0 : i32
      %dma_start3A_281 = tpu.memref_slice %arg4[%add3A, %dma_start3A_279, %dma_start3A_280] : memref<32x512x768xf32, #tpu.memory_space<hbm>> -> memref<1x64x768xf32, #tpu.memory_space<hbm>>
      %dma_start3A_282 = tpu.memref_squeeze %dma_start3A_281 : memref<1x64x768xf32, #tpu.memory_space<hbm>> -> memref<64x768xf32, #tpu.memory_space<hbm>>
      %dma_start3A_283 = arith.constant 0 : i32
      %dma_start3A_284 = arith.constant 0 : i32
      %dma_start3A_285 = tpu.memref_slice %arg6[%run_scoped3A_252, %dma_start3A_283, %dma_start3A_284] : memref<2x64x768xf32, #tpu.memory_space<vmem>> -> memref<1x64x768xf32, #tpu.memory_space<vmem>>
      %dma_start3A_286 = tpu.memref_squeeze %dma_start3A_285 : memref<1x64x768xf32, #tpu.memory_space<vmem>> -> memref<64x768xf32, #tpu.memory_space<vmem>>
      tpu.enqueue_dma source(%dma_start3A_286 : memref<64x768xf32, #tpu.memory_space<vmem>>) target(%dma_start3A_282 : memref<64x768xf32, #tpu.memory_space<hbm>>) target_semaphore(%run_scoped3A_270 : memref<!tpu.dma_semaphore, #tpu.memory_space<semaphore_mem>>)
      %dma_wait3A_287 = arith.constant 0 : i32
      %dma_wait3A_288 = arith.constant 0 : i32
      %dma_wait3A_289 = tpu.memref_slice %arg6[%run_scoped3A_252, %dma_wait3A_287, %dma_wait3A_288] : memref<2x64x768xf32, #tpu.memory_space<vmem>> -> memref<1x64x768xf32, #tpu.memory_space<vmem>>
      %dma_wait3A_290 = tpu.memref_squeeze %dma_wait3A_289 : memref<1x64x768xf32, #tpu.memory_space<vmem>> -> memref<64x768xf32, #tpu.memory_space<vmem>>
      %dma_wait3A_291 = arith.constant 384 : i32
      %dma_wait3A_292 = arith.constant 0 : i32
      %dma_wait3A_293 = tpu.memref_slice %arg4[%add3A, %dma_wait3A_291, %dma_wait3A_292] : memref<32x512x768xf32, #tpu.memory_space<hbm>> -> memref<1x64x768xf32, #tpu.memory_space<hbm>>
      %dma_wait3A_294 = tpu.memref_squeeze %dma_wait3A_293 : memref<1x64x768xf32, #tpu.memory_space<hbm>> -> memref<64x768xf32, #tpu.memory_space<hbm>>
      %dma_wait3A_295 = arith.constant 384 : i32
      %dma_wait3A_296 = arith.constant 0 : i32
      %dma_wait3A_297 = tpu.memref_slice %arg4[%add3A, %dma_wait3A_295, %dma_wait3A_296] : memref<32x512x768xf32, #tpu.memory_space<hbm>> -> memref<1x64x768xf32, #tpu.memory_space<hbm>>
      %dma_wait3A_298 = tpu.memref_squeeze %dma_wait3A_297 : memref<1x64x768xf32, #tpu.memory_space<hbm>> -> memref<64x768xf32, #tpu.memory_space<hbm>>
      %dma_wait3A_299 = arith.constant 0 : i32
      %dma_wait3A_300 = arith.constant 0 : i32
      %dma_wait3A_301 = tpu.memref_slice %arg6[%run_scoped3A_252, %dma_wait3A_299, %dma_wait3A_300] : memref<2x64x768xf32, #tpu.memory_space<vmem>> -> memref<1x64x768xf32, #tpu.memory_space<vmem>>
      %dma_wait3A_302 = tpu.memref_squeeze %dma_wait3A_301 : memref<1x64x768xf32, #tpu.memory_space<vmem>> -> memref<64x768xf32, #tpu.memory_space<vmem>>
      tpu.wait_dma2 semaphore(%run_scoped3A_270 : memref<!tpu.dma_semaphore, #tpu.memory_space<semaphore_mem>>) src(%dma_wait3A_302 : memref<64x768xf32, #tpu.memory_space<vmem>>) dst(%dma_wait3A_298 : memref<64x768xf32, #tpu.memory_space<hbm>>)
      tpu.yield
    }) : () -> ()
    %dma_wait3A_253 = arith.constant 1 : i32
    %dma_wait3A_254 = arith.constant 1 : i32
    %dma_wait3A_255 = arith.constant 0 : i32
    %dma_wait3A_256 = arith.constant 0 : i32
    %dma_wait3A_257 = tpu.memref_slice %arg6[%dma_wait3A_254, %dma_wait3A_255, %dma_wait3A_256] : memref<2x64x768xf32, #tpu.memory_space<vmem>> -> memref<1x64x768xf32, #tpu.memory_space<vmem>>
    %dma_wait3A_258 = tpu.memref_squeeze %dma_wait3A_257 : memref<1x64x768xf32, #tpu.memory_space<vmem>> -> memref<64x768xf32, #tpu.memory_space<vmem>>
    %dma_wait3A_259 = arith.constant 0 : i32
    %dma_wait3A_260 = tpu.memref_slice %arg5[%dma_wait3A_253, %dma_wait3A_259] : memref<2x64xi32, #tpu.memory_space<vmem>> -> memref<1x64xi32, #tpu.memory_space<vmem>>
    %dma_wait3A_261 = tpu.memref_squeeze %dma_wait3A_260 : memref<1x64xi32, #tpu.memory_space<vmem>> -> memref<64xi32, #tpu.memory_space<vmem>>
    %dma_wait3A_262 = arith.constant 0 : i32
    %dma_wait3A_263 = arith.constant 0 : i32
    %dma_wait3A_264 = tpu.memref_slice %arg2[%add3A, %dma_wait3A_262, %dma_wait3A_263] : memref<32x4096x768xf32, #tpu.memory_space<hbm>> -> memref<1x4096x768xf32, #tpu.memory_space<hbm>>
    %dma_wait3A_265 = tpu.memref_squeeze %dma_wait3A_264 : memref<1x4096x768xf32, #tpu.memory_space<hbm>> -> memref<4096x768xf32, #tpu.memory_space<hbm>>
    %dma_wait3A_266 = arith.constant 0 : i32
    %dma_wait3A_267 = arith.constant 0 : i32
    %dma_wait3A_268 = tpu.memref_slice %dma_wait3A_265[%dma_wait3A_266, %dma_wait3A_267] : memref<4096x768xf32, #tpu.memory_space<hbm>> -> memref<4096x768xf32, #tpu.memory_space<hbm>>
    tpu.wait_indirect_dma semaphore(%arg8 : memref<!tpu.dma_semaphore, #tpu.memory_space<semaphore_mem>>) src(%dma_wait3A_268 : memref<4096x768xf32, #tpu.memory_space<hbm>>) dst(%dma_wait3A_258 : memref<64x768xf32, #tpu.memory_space<vmem>>)
    %run_scoped3A_269 = arith.constant 1 : i32
    "tpu.region"() ({
      %run_scoped3A_270 = tpu.sem_alloc : memref<!tpu.dma_semaphore, #tpu.memory_space<semaphore_mem>>
      %dma_start3A_271 = arith.constant 0 : i32
      %dma_start3A_272 = arith.constant 0 : i32
      %dma_start3A_273 = tpu.memref_slice %arg6[%run_scoped3A_269, %dma_start3A_271, %dma_start3A_272] : memref<2x64x768xf32, #tpu.memory_space<vmem>> -> memref<1x64x768xf32, #tpu.memory_space<vmem>>
      %dma_start3A_274 = tpu.memref_squeeze %dma_start3A_273 : memref<1x64x768xf32, #tpu.memory_space<vmem>> -> memref<64x768xf32, #tpu.memory_space<vmem>>
      %dma_start3A_275 = arith.constant 448 : i32
      %dma_start3A_276 = arith.constant 0 : i32
      %dma_start3A_277 = tpu.memref_slice %arg4[%add3A, %dma_start3A_275, %dma_start3A_276] : memref<32x512x768xf32, #tpu.memory_space<hbm>> -> memref<1x64x768xf32, #tpu.memory_space<hbm>>
      %dma_start3A_278 = tpu.memref_squeeze %dma_start3A_277 : memref<1x64x768xf32, #tpu.memory_space<hbm>> -> memref<64x768xf32, #tpu.memory_space<hbm>>
      %dma_start3A_279 = arith.constant 448 : i32
      %dma_start3A_280 = arith.constant 0 : i32
      %dma_start3A_281 = tpu.memref_slice %arg4[%add3A, %dma_start3A_279, %dma_start3A_280] : memref<32x512x768xf32, #tpu.memory_space<hbm>> -> memref<1x64x768xf32, #tpu.memory_space<hbm>>
      %dma_start3A_282 = tpu.memref_squeeze %dma_start3A_281 : memref<1x64x768xf32, #tpu.memory_space<hbm>> -> memref<64x768xf32, #tpu.memory_space<hbm>>
      %dma_start3A_283 = arith.constant 0 : i32
      %dma_start3A_284 = arith.constant 0 : i32
      %dma_start3A_285 = tpu.memref_slice %arg6[%run_scoped3A_269, %dma_start3A_283, %dma_start3A_284] : memref<2x64x768xf32, #tpu.memory_space<vmem>> -> memref<1x64x768xf32, #tpu.memory_space<vmem>>
      %dma_start3A_286 = tpu.memref_squeeze %dma_start3A_285 : memref<1x64x768xf32, #tpu.memory_space<vmem>> -> memref<64x768xf32, #tpu.memory_space<vmem>>
      tpu.enqueue_dma source(%dma_start3A_286 : memref<64x768xf32, #tpu.memory_space<vmem>>) target(%dma_start3A_282 : memref<64x768xf32, #tpu.memory_space<hbm>>) target_semaphore(%run_scoped3A_270 : memref<!tpu.dma_semaphore, #tpu.memory_space<semaphore_mem>>)
      %dma_wait3A_287 = arith.constant 0 : i32
      %dma_wait3A_288 = arith.constant 0 : i32
      %dma_wait3A_289 = tpu.memref_slice %arg6[%run_scoped3A_269, %dma_wait3A_287, %dma_wait3A_288] : memref<2x64x768xf32, #tpu.memory_space<vmem>> -> memref<1x64x768xf32, #tpu.memory_space<vmem>>
      %dma_wait3A_290 = tpu.memref_squeeze %dma_wait3A_289 : memref<1x64x768xf32, #tpu.memory_space<vmem>> -> memref<64x768xf32, #tpu.memory_space<vmem>>
      %dma_wait3A_291 = arith.constant 448 : i32
      %dma_wait3A_292 = arith.constant 0 : i32
      %dma_wait3A_293 = tpu.memref_slice %arg4[%add3A, %dma_wait3A_291, %dma_wait3A_292] : memref<32x512x768xf32, #tpu.memory_space<hbm>> -> memref<1x64x768xf32, #tpu.memory_space<hbm>>
      %dma_wait3A_294 = tpu.memref_squeeze %dma_wait3A_293 : memref<1x64x768xf32, #tpu.memory_space<hbm>> -> memref<64x768xf32, #tpu.memory_space<hbm>>
      %dma_wait3A_295 = arith.constant 448 : i32
      %dma_wait3A_296 = arith.constant 0 : i32
      %dma_wait3A_297 = tpu.memref_slice %arg4[%add3A, %dma_wait3A_295, %dma_wait3A_296] : memref<32x512x768xf32, #tpu.memory_space<hbm>> -> memref<1x64x768xf32, #tpu.memory_space<hbm>>
      %dma_wait3A_298 = tpu.memref_squeeze %dma_wait3A_297 : memref<1x64x768xf32, #tpu.memory_space<hbm>> -> memref<64x768xf32, #tpu.memory_space<hbm>>
      %dma_wait3A_299 = arith.constant 0 : i32
      %dma_wait3A_300 = arith.constant 0 : i32
      %dma_wait3A_301 = tpu.memref_slice %arg6[%run_scoped3A_269, %dma_wait3A_299, %dma_wait3A_300] : memref<2x64x768xf32, #tpu.memory_space<vmem>> -> memref<1x64x768xf32, #tpu.memory_space<vmem>>
      %dma_wait3A_302 = tpu.memref_squeeze %dma_wait3A_301 : memref<1x64x768xf32, #tpu.memory_space<vmem>> -> memref<64x768xf32, #tpu.memory_space<vmem>>
      tpu.wait_dma2 semaphore(%run_scoped3A_270 : memref<!tpu.dma_semaphore, #tpu.memory_space<semaphore_mem>>) src(%dma_wait3A_302 : memref<64x768xf32, #tpu.memory_space<vmem>>) dst(%dma_wait3A_298 : memref<64x768xf32, #tpu.memory_space<hbm>>)
      tpu.yield
    }) : () -> ()
    return
  }
}

module attributes {stable_mosaic.version = 14 : i64} {
  func.func @_combine_block(%arg0: memref<32x4096xf32, #tpu.memory_space<vmem>>, %arg1: memref<32x4096xf32, #tpu.memory_space<vmem>>, %arg2: memref<32x4096xf32, #tpu.memory_space<vmem>>) attributes {dimension_semantics = [], scalar_prefetch = 0 : i64, scratch_operands = 0 : i64, tpu.core_type = #tpu.core_type<tc>} {
    %get3A = arith.constant 0 : index
    %get3A_0 = arith.constant 0 : index
    %get3A_1 = vector.load %arg0[%get3A, %get3A_0] : memref<32x4096xf32, #tpu.memory_space<vmem>>, vector<32x4096xf32>
    %mul3A = arith.constant 4.000000e-01 : f32
    %mul3A_2 = vector.broadcast %mul3A : f32 to vector<32x4096xf32>
    %mul3A_3 = arith.mulf %mul3A_2, %get3A_1 : vector<32x4096xf32>
    %get3A_4 = arith.constant 0 : index
    %get3A_5 = arith.constant 0 : index
    %get3A_6 = vector.load %arg1[%get3A_4, %get3A_5] : memref<32x4096xf32, #tpu.memory_space<vmem>>, vector<32x4096xf32>
    %mul3A_7 = arith.constant 6.000000e-01 : f32
    %mul3A_8 = vector.broadcast %mul3A_7 : f32 to vector<32x4096xf32>
    %mul3A_9 = arith.mulf %mul3A_8, %get3A_6 : vector<32x4096xf32>
    %add3A = arith.addf %mul3A_3, %mul3A_9 : vector<32x4096xf32>
    %swap3A = arith.constant 0 : index
    %swap3A_10 = arith.constant 0 : index
    %swap3A_11 = vector.load %arg2[%swap3A, %swap3A_10] : memref<32x4096xf32, #tpu.memory_space<vmem>>, vector<32x4096xf32>
    tpu.vector_store %arg2[%swap3A, %swap3A_10], %add3A {strides = array<i32>} : memref<32x4096xf32, #tpu.memory_space<vmem>>, vector<32x4096xf32>,
    return
  }
}

</mosaic_0001>

<sc_bundles>
// kernel: kernel.4.cloned.1.call-start
scs
__scs_entry_jumppad:
0x0: {  	(pc) =	sbr.rel $0x88, $3  }
0x1: {  	(tag) =	ssettag $0x0;
	lr =	simm.s32 $0x1  }
0x2: {  	[smem:$0x3F99] =	sst lr;
	_ =	strace $0xD0000000  }
0x3: {  	_ = 	snop  }
0x4: {  	_ = 	snop  }
0x5: {  	_ = 	snop  }
0x6: {  	_ = 	snop  }
0x7: {  	_ = 	snop  }
__scs_overlays_trampoline_lowered:
0x8: {  	[smem:$0x3FA8] =	sst s0  }
0x9: {  	[smem:$0x3FA9] =	sst s1  }
0xa: {  	[smem:$0x3FAA] =	sst s2  }
0xb: {  	[smem:$0x3FAB] =	sst s3  }
0xc: {  	[smem:$0x3FAC] =	sst s4  }
0xd: {  	[smem:$0x3FAD] =	sst s5  }
0xe: {  	[smem:$0x3FAE] =	sst s6  }
0xf: {  	[smem:$0x3FAF] =	sst s7  }
0x10: {  	[smem:$0x3FB0] =	sst s8  }
0x11: {  	[smem:$0x3FB1] =	sst s9;
	s0 =	simm.s32 @!p0 $0x0  }
0x12: {  	s1 =	sld [smem:$0x3F97];
	s0 =	simm.s32 @p0 $0x1  }
0x13: {  	[smem:$0x3FB2] =	sst s0;
	s0 =	simm.s32 @!p1 $0x0  }
0x14: {  	s2 =	sld [smem:$0x3F96];
	s0 =	simm.s32 @p1 $0x1  }
0x15: {  	[smem:$0x3FB3] =	sst s0;
	s0 =	simm.s32 @!p2 $0x0  }
0x16: {  	s3 =	sld [smem:$0x3FDB];
	s0 =	simm.s32 @p2 $0x1  }
0x17: {  	s4 =	simm.s32 $0x1BF5;
	[smem:$0x3FB5] =	sst s0  }
0x18: {  	s0 =	sld [smem:$0x3F98];
	_ =	swait.ge [sflag:s4], $0x0  }
0x19: {  	s7 =	sld [smem:$0x3F99]  }
0x1a: {  	s8 =	sadd.s32 $0xFFFFE003, lr  }
0x1b: {  	s9 =	sadd.s32 $0xFFFFFEF7, lr;
	s5 =	simm.s32 $0xFFFFFFFF;
	p2 =	slt.u32 s8, $0xFFFFF086  }
0x1c: {  	p1 =	slt.u32 s9, $0xF7A;
	s5 =	simm.s32 @!p2 $0x0  }
0x1d: {  	s5 =	simm.s32 @p1 $0x1;
	p0 =	seq.s32 s7, s2  }
0x1e: {  	s7 =	smul.u32 @!p0 $0xF7A, s2;
	p2 =	seq.s32 @!p0 s5, $0x0  }
0x1f: {  	s9 =	smul.u32 $0xF7A, s1;
	s8 =	simm.s32 @!p0 $0x1BF5;
	p2 =	por !p2, p0  }
0x20: {  	[sflag:s8] =	ssyncset.s32 @!p0 $0xFFFFF086;
	s6 =	sadd.s32 @!p0 s3, s7;
	s7 =	simm.s32 @!p0 $0x108  }
0x21: {  	s3 =	sadd.s32 s3, s9;
	s6 =	sadd.s32 @!p0 $0x88, s6;
	s7 =	simm.s32 @p2 $0x1082  }
0x22: {  	[simem:s7], [sflag:s8] =	dma.local @!p0 [hbm:s6], $0xF7A  }
0x23: {  	s9 =	sor.u32 $0xD0000000, s2;
	s6 =	simm.s32 $0x108;
	_ =	swait.ge @!p0 [sflag:s8], $0x0  }
0x24: {  	s3 =	sadd.s32 $0x88, s3;
	s6 =	simm.s32 @!p1 $0x1082;
	[sflag:s4] =	ssyncset.s32 $0xFFFFF086  }
0x25: {  	[simem:s6], [sflag:s4] =	dma.local [hbm:s3], $0xF7A  }
0x26: {  	[smem:$0x3F99] =	sst s1;
	(tag) =	ssettag s2;
	_ =	strace s9  }
0x27: {  	s1 =	sld [smem:$0x3FA9]  }
0x28: {  	s2 =	sld [smem:$0x3FAA]  }
0x29: {  	s4 =	sld [smem:$0x3FAC]  }
0x2a: {  	p0 =	seq.s32 s5, $0x0;
	s5 =	sld [smem:$0x3FAD]  }
0x2b: {  	s6 =	sld [smem:$0x3FAE]  }
0x2c: {  	s7 =	sld [smem:$0x3FAF]  }
0x2d: {  	s3 =	simm.s32 $0x108;
	s8 =	sld [smem:$0x3FB0]  }
0x2e: {  	s3 =	simm.s32 @!p0 $0x1082;
	s9 =	sld [smem:$0x3FB1]  }
0x2f: {  	lr =	sadd.s32 s0, s3;
	s0 =	sld [smem:$0x3FA8]  }
0x30: {  	s3 =	sld [smem:$0x3FAB]  }
0x31: {  	[smem:$0x3FB4] =	sst s10  }
0x32: {  	s10 =	sld [smem:$0x3FB2];
	_ =	sdelay $0x3  }
0x33: {  	p0 =	seq.s32 s10, $0x1;
	s10 =	sld [smem:$0x3FB4];
	_ =	sdelay $0x3  }
0x34: {  	[smem:$0x3FB4] =	sst s10  }
0x35: {  	s10 =	sld [smem:$0x3FB3];
	_ =	sdelay $0x3  }
0x36: {  	p1 =	seq.s32 s10, $0x1;
	s10 =	sld [smem:$0x3FB4];
	_ =	sdelay $0x3  }
0x37: {  	[smem:$0x3FB4] =	sst s10  }
0x38: {  	s10 =	sld [smem:$0x3FB5]  }
0x39: {  	_ = 	snop;
	(pc) =	sbr.ind lr, $3  }
0x3a: {  	_ = 	snop  }
0x3b: {  	_ = 	snop  }
0x3c: {  	p2 =	seq.s32 s10, $0x1;
	s10 =	sld [smem:$0x3FB4]  }
0x3d: {  	_ =	shalt  }
0x3e: {  	_ =	shalt  }
0x3f: {  	_ =	shalt  }
0x40: {  	_ =	shalt  }
0x41: {  	_ =	shalt  }
0x42: {  	_ =	shalt  }
0x43: {  	_ =	shalt  }
0x44: {  	_ =	shalt  }
0x45: {  	_ =	shalt  }
0x46: {  	_ =	shalt  }
0x47: {  	_ =	shalt  }
0x48: {  	_ =	shalt  }
0x49: {  	_ =	shalt  }
0x4a: {  	_ =	shalt  }
0x4b: {  	_ =	shalt  }
0x4c: {  	_ =	shalt  }
0x4d: {  	_ =	shalt  }
0x4e: {  	_ =	shalt  }
0x4f: {  	_ =	shalt  }
0x50: {  	_ =	shalt  }
0x51: {  	_ =	shalt  }
0x52: {  	_ =	shalt  }
0x53: {  	_ =	shalt  }
0x54: {  	_ =	shalt  }
0x55: {  	_ =	shalt  }
0x56: {  	_ =	shalt  }
0x57: {  	_ =	shalt  }
0x58: {  	_ =	shalt  }
0x59: {  	_ =	shalt  }
0x5a: {  	_ =	shalt  }
0x5b: {  	_ =	shalt  }
0x5c: {  	_ =	shalt  }
0x5d: {  	_ =	shalt  }
0x5e: {  	_ =	shalt  }
0x5f: {  	_ =	shalt  }
0x60: {  	_ =	shalt  }
0x61: {  	_ =	shalt  }
0x62: {  	_ =	shalt  }
0x63: {  	_ =	shalt  }
0x64: {  	_ =	shalt  }
0x65: {  	_ =	shalt  }
0x66: {  	_ =	shalt  }
0x67: {  	_ =	shalt  }
0x68: {  	_ =	shalt  }
0x69: {  	_ =	shalt  }
0x6a: {  	_ =	shalt  }
0x6b: {  	_ =	shalt  }
0x6c: {  	_ =	shalt  }
0x6d: {  	_ =	shalt  }
0x6e: {  	_ =	shalt  }
0x6f: {  	_ =	shalt  }
0x70: {  	_ =	shalt  }
0x71: {  	_ =	shalt  }
0x72: {  	_ =	shalt  }
0x73: {  	_ =	shalt  }
0x74: {  	_ =	shalt  }
0x75: {  	_ =	shalt  }
0x76: {  	_ =	shalt  }
0x77: {  	_ =	shalt  }
0x78: {  	_ =	shalt  }
0x79: {  	_ =	shalt  }
0x7a: {  	_ =	shalt  }
0x7b: {  	_ =	shalt  }
0x7c: {  	_ =	shalt  }
0x7d: {  	_ =	shalt  }
0x7e: {  	_ =	shalt  }
0x7f: {  	_ =	shalt  }
0x80: {  	_ =	shalt  }
0x81: {  	_ =	shalt  }
0x82: {  	_ =	shalt  }
0x83: {  	_ =	shalt  }
0x84: {  	_ =	shalt  }
0x85: {  	_ =	shalt  }
0x86: {  	_ =	shalt  }
0x87: {  	_ =	shalt  }
.Lfunc_end0:
.L_simem_size_0:
called_computation_lowered:
.L_overlay_start_0:
0x88: {  	s2 =	sld [smem:$0x3FD9]  }
0x89: {  	s3 =	sld [smem:$0x3FFE];
	_ =	sdelay $0x1  }
0x8a: {  	s1 =	srdreg.scid  }
0x8b: {  	s0 =	sand.u32 $0x1, s1  }
0x8c: {  	s15 =	sshll.u32 s0, $0xA;
	s2 =	sadd.s32 s3, s2  }
0x8d: {  	s2 =	sadd.s32 s2, s15  }
0x8e: {  	[smem:$0x3FC0] =	sst s2  }
0x8f: {  	_ = 	snop  }
0x90: {  	s2 =	sld [smem:$0x3FD0];
	_ =	sdelay $0x2  }
0x91: {  	s4 =	simm.s32 $0xA;
	s5 =	simm.s32 $0x10;
	s16 =	sld [smem:$0x3FC9]  }
0x92: {  	[smem:s5], [sflag:s4] =	dma.local [hbm:s2], $0x1  }
0x93: {  	_ =	swait.eq [sflag:s4], $0x1  }
0x94: {  	[sflag:s4] =	ssyncset.done $0x0  }
0x95: {  	s17 =	sld [smem:$0x10];
	[sflag:s4] =	ssyncadd.s32 $0xFFFFFFFF  }
0x96: {  	s18 =	sld [smem:$0x11];
	(tm) =	ssettm $0x1  }
0x97: {  	s19 =	sld [smem:$0x3FFB];
	_ =	sdelay $0x3  }
0x98: {  	_ =	strace s19  }
0x99: {  	s5 =	sld [smem:$0x3FFC];
	_ =	sdelay $0x3  }
0x9a: {  	_ =	strace s5  }
0x9b: {  	s5 =	sld [smem:$0x3FFD];
	_ =	sdelay $0x3  }
0x9c: {  	_ =	strace s5  }
0x9d: {  	_ =	strace $0x8FFFFFFF  }
0x9e: {  	s20 =	sld [smem:$0x3FDB];
	_ =	sdelay $0x1  }
0x9f: {  	s6 =	simm.s32 $_scs_section_size  }
0xa0: {  	s7 =	simm.s32 $_size__tile_overlayer_lowered;
	s8 =	simm.s32 $_tile_overlayer_lowered  }
0xa1: {  	s23 =	simm.s32 $0x1BFF;
	s22 =	sshll.u32 s8, $0x1;
	s5 =	sadd.s32 s6, s20  }
0xa2: {  	s9 =	simm.s32 $0x0;
	s21 =	sshll.u32 s7, $0x1;
	s7 =	sadd.s32 s22, s5  }
0xa3: {  	[timem:s9], [sflag:s23] =	dma.local [hbm:s7], s21  }
0xa4: {  	_ =	swait.ge [sflag:s23], s21  }
0xa5: {  	s6 =	ssub.s32 $0x0, s21;
	[sflag:s23] =	ssyncset.done $0x0  }
0xa6: {  	[sflag:s23] =	ssyncadd.s32 s6;
	_ =	sdelay $0x1  }
0xa7: {  	s24 =	simm.s32 $0x1B8B  }
0xa8: {  	_ =	swait.ge [sflag:s24], $0x1  }
0xa9: {  	[sflag:s24] =	ssyncset.done $0x0  }
0xaa: {  	s25 =	simm.s32 $0x1B8E;
	[sflag:s24] =	ssyncadd.s32 $0xFFFFFFFF  }
0xab: {  	s26 =	simm.s32 $execute0_lowered;
	[smem:$0x3FD2] =	sst s25  }
0xac: {  	s6 =	sshll.u32 s26, $0x1;
	_ =	strace $0x80000046;
	[dreg:$0x1] =	wrdreg $0xFFFFFFFF  }
0xad: {  	s28 =	simm.s32 $_size_execute0_lowered;
	s5 =	sadd.s32 s5, s6;
	[dreg:$0x0] =	wrdreg $0x0  }
0xae: {  	s6 =	sshll.u32 s28, $0x1;
	[dreg:$0x2] =	wrdreg s5  }
0xaf: {  	[dreg:$0x3] =	wrdreg s6  }
0xb0: {  	[dreg:$0x4] =	wrdreg $0xC0  }
0xb1: {  	_ =	task [dreg:s9], $0x5FFFF  }
0xb2: {  	[dreg:$0x1] =	wrdreg $0xFFFFFFFF  }
0xb3: {  	[dreg:$0x0] =	wrdreg $0x60  }
0xb4: {  	[dreg:$0x2] =	wrdreg s16  }
0xb5: {  	[dreg:$0x3] =	wrdreg s18  }
0xb6: {  	[dreg:$0x4] =	wrdreg s17  }
0xb7: {  	[dreg:$0x5] =	wrdreg $0x9  }
0xb8: {  	_ =	task.clear_ibuf [dreg:s9], $0x6FFFF;
	_ =	strace $0x90000046  }
0xb9: {  	s29 =	simm.s32 $0x9;
	_ =	strace $0x80000048  }
0xba: {  	_ =	swait.ge [sflag:s29], $0x1  }
0xbb: {  	[sflag:s29] =	ssyncadd.s32 $0xFFFFFFFF  }
0xbc: {  	_ =	strace $0x90000048  }
0xbd: {  	_ =	sfence  }
0xbe: {  	s30 =	sld [smem:$0x0];
	_ =	sdelay $0x2  }
0xbf: {  	s31 =	sshll.u32 s1, $0xD;
	s1 =	sshrl.u32 s1, $0x2  }
0xc0: {  	s3 =	sand.u32 $0x4000, s31;
	s1 =	sadd.s32 s1, s30  }
0xc1: {  	s0 =	sor.u32 s3, s0;
	s1 =	sshll.u32 s1, $0x11  }
0xc2: {  	s0 =	sor.u32 s1, s0  }
0xc3: {  	s0 =	sadd.s32 $0x8F2B, s0  }
0xc4: {  	[sflag:s0] =	ssyncadd.remote.s32 $0x1  }
0xc5: {  	_ =	sfence.sel $0xFFFF  }
0xc6: {  	[dreg:$0x0] =	wrdreg $0xFFFFFFFF;
	(pc) =	sbr.abs _section_cstart, $3  }
0xc7: {  	[dreg:$0x1] =	wrdreg $0xFFFFFFFF  }
0xc8: {  	_ =	task.clear_ibuf [dreg:s9], $0x2FFFF;
	_ =	strace $0x9FFFFFFF  }
0xc9: {  	(tm) =	ssettm $0x7FFFFFFF  }
tec
execute0_lowered:
.L_overlay_start_1:
0x0: {  	(tag) =	ssettag $0x1  }
0x1: {  	s0 =	srdreg.scid;
	s6 =	stileid.u32  }
0x2: {  	s0 =	sand.u32 $0x1, s0;
	s2 =	sshll.u32 s6, $0x1  }
0x3: {  	s4 =	sor.u32 s0, s2  }
0x4: {  	s1 =	rddreg [dreg:$0x0];
	s14 =	sshll.u32 s6, $0x7;
	s15 =	sshll.u32 s4, $0x4  }
0x5: {  	s3 =	rddreg [dreg:$0x1];
	s4 =	smul.u32 $0x60000, s4;
	s6 =	sor.u32 s14, s15  }
0x6: {  	s5 =	rddreg [dreg:$0x2];
	s2 =	simm.s32 $0x0;
	s6 =	sand.u32 $0x670, s6  }
0x7: {  	[smem:$0x7FF] =	sst s2;
	s16 =	sshrl.u32 s4, $0x3;
	s7 =	sadd.s32 s3, s6  }
0x8: {  	_ =	strace $0x80000047;
	s6 =	sadd.s32 s5, s16;
	[dreg:$0x12] =	wrdreg s7  }
0x9: {  	s3 =	sadd.s32 $0x8, s7;
	[dreg:$0x13] =	wrdreg s6  }
0xa: {  	s17 =	sadd.s32 $0x80, s7;
	[dreg:$0x4] =	wrdreg s3  }
0xb: {  	s18 =	sadd.s32 $0x1800, s6;
	[dreg:$0x5] =	wrdreg s17  }
0xc: {  	s19 =	sadd.s32 $0x88, s7;
	[dreg:$0x6] =	wrdreg s18  }
0xd: {  	s10 =	simm.s32 $0xC100;
	s20 =	sadd.s32 $0x3000, s6;
	[dreg:$0x7] =	wrdreg s19  }
0xe: {  	s12 =	simm.s32 $0x1;
	s21 =	sadd.s32 $0x100, s7;
	[dreg:$0x8] =	wrdreg s20  }
0xf: {  	s13 =	simm.s32 $0x2;
	s22 =	sadd.s32 $0x4800, s6;
	[dreg:$0x9] =	wrdreg s21  }
0x10: {  	s0 =	ssub.s32 $0x2, s0;
	s23 =	sadd.s32 $0x108, s7;
	[dreg:$0xa] =	wrdreg s22  }
0x11: {  	s29 =	sshrl.u32 s0, $0x1;
	s24 =	sadd.s32 $0x6000, s6;
	[dreg:$0xb] =	wrdreg s23  }
0x12: {  	s0 =	ssub.s32 s0, s29;
	s25 =	sadd.s32 $0x180, s7;
	[dreg:$0xc] =	wrdreg s24  }
0x13: {  	s5 =	sadd.s32 s1, s4;
	s26 =	sadd.s32 $0x7800, s6;
	[dreg:$0xd] =	wrdreg s25  }
0x14: {  	s28 =	sadd.s32 $0x188, s7;
	s30 =	sadd.s32 $0x9000, s6;
	[dreg:$0xe] =	wrdreg s26  }
0x15: {  	v2 =	vlaneseq.u32;
	s31 =	sadd.s32 $0xA800, s6;
	s6 =	smax.u32 s0, $0x1;
	[dreg:$0xf] =	wrdreg s28  }
0x16: {  	vm0 =	vmmov $0xffff;
	v1 =	vshrl.u32 v2, $0x3;
	s7 =	simm.s32 $0x3;
	s9 =	sadd.s32 $0x100, s5;
	[dreg:$0x10] =	wrdreg s30  }
0x17: {  	v0 =	vand.u32 $0x7, v2;
	v2 =	vor.u32 $0x8, v2;
	v1 =	vmul.u32 $0x8, v1;
	s11 =	sadd.s32 $0x200, s5;
	[dreg:$0x11] =	wrdreg s31;
	s20 =	simm.s32 $0x100  }
.LBB2_1:
0x18: {  	s14 =	rddreg [dreg:$0x12]  }
0x19: {  	[tilespmem:s2], [sflag:$0x3] =	stream.linear.gather [hbm4b:s14+s2], $0x40, $0x38;
	[tilespmem:$0x18100] =	vst v63  }
0x1a: {  	_ =	swait.ge [sflag:s7], $0x40  }
0x1b: {  	[sflag:s7] =	ssyncset.done $0x0  }
0x1c: {  	[sflag:s7] =	ssyncadd.s32 $0xFFFFFFC0  }
0x1d: {  	v3 =	vld [tilespmem:$0x0];
	_ =	sdelay $0x4  }
0x1e: {  	v4 =	vshrl.u32 v3, $0x3  }
0x1f: {  	v4 =	vmul.u32 $0x30, v4  }
0x20: {  	v3 =	vand.u32 $0x7, v3  }
0x21: {  	v3 =	vor.u32 v3, v4  }
0x22: {  	v4 =	vperm.xlane v3, v0;
	_ =	sdelay $0x1  }
0x23: {  	v4 =	vadd.s32 v1, v4;
	_ =	sdelay $0x3  }
0x24: {  	v3 =	vperm.xlane v3, v2  }
0x25: {  	[tilespmem:s20], [sflag:$0x1] =	stream.indirect_vreg.gather [hbm4b:s5+s2], $0x80, v4, vm0, $0xb8;
	[tilespmem:$0x18100] =	vst v63  }
0x26: {  	s0 =	simm.s32 $0x900;
	v3 =	vadd.s32 v1, v3  }
0x27: {  	[tilespmem:s0], [sflag:$0x1] =	stream.indirect_vreg.gather [hbm4b:s9+s2], $0x80, v4, vm0, $0xb8;
	[tilespmem:$0x18100] =	vst v63  }
0x28: {  	s28 =	simm.s32 $0x1100  }
0x29: {  	[tilespmem:s28], [sflag:$0x1] =	stream.indirect_vreg.gather [hbm4b:s11+s2], $0x80, v4, vm0, $0xb8;
	[tilespmem:$0x18100] =	vst v63  }
0x2a: {  	s29 =	simm.s32 $0x1900  }
0x2b: {  	[tilespmem:s29], [sflag:$0x1] =	stream.indirect_vreg.gather [hbm4b:s5+s2], $0x80, v3, vm0, $0xb8;
	[tilespmem:$0x18100] =	vst v63  }
0x2c: {  	s30 =	simm.s32 $0x2100  }
0x2d: {  	[tilespmem:s30], [sflag:$0x1] =	stream.indirect_vreg.gather [hbm4b:s9+s2], $0x80, v3, vm0, $0xb8;
	[tilespmem:$0x18100] =	vst v63  }
0x2e: {  	s31 =	simm.s32 $0x2900  }
0x2f: {  	[tilespmem:s31], [sflag:$0x1] =	stream.indirect_vreg.gather [hbm4b:s11+s2], $0x80, v3, vm0, $0xb8;
	[tilespmem:$0x18100] =	vst v63  }
0x30: {  	v3 =	vld [tilespmem:$0x10];
	_ =	sdelay $0x4  }
0x31: {  	v33 =	vshrl.u32 v3, $0x3  }
0x32: {  	v4 =	vmul.u32 $0x30, v33  }
0x33: {  	v3 =	vand.u32 $0x7, v3  }
0x34: {  	v3 =	vor.u32 v3, v4  }
0x35: {  	v4 =	vperm.xlane v3, v0;
	_ =	sdelay $0x1  }
0x36: {  	v4 =	vadd.s32 v1, v4;
	_ =	sdelay $0x3  }
0x37: {  	s1 =	simm.s32 $0x3100;
	v3 =	vperm.xlane v3, v2  }
0x38: {  	[tilespmem:s1], [sflag:$0x1] =	stream.indirect_vreg.gather [hbm4b:s5+s2], $0x80, v4, vm0, $0xb8;
	[tilespmem:$0x18100] =	vst v63  }
0x39: {  	s3 =	simm.s32 $0x3900;
	v3 =	vadd.s32 v1, v3  }
0x3a: {  	[tilespmem:s3], [sflag:$0x1] =	stream.indirect_vreg.gather [hbm4b:s9+s2], $0x80, v4, vm0, $0xb8;
	[tilespmem:$0x18100] =	vst v63  }
0x3b: {  	s4 =	simm.s32 $0x4100  }
0x3c: {  	[tilespmem:s4], [sflag:$0x1] =	stream.indirect_vreg.gather [hbm4b:s11+s2], $0x80, v4, vm0, $0xb8;
	[tilespmem:$0x18100] =	vst v63  }
0x3d: {  	s8 =	simm.s32 $0x4900  }
0x3e: {  	[tilespmem:s8], [sflag:$0x1] =	stream.indirect_vreg.gather [hbm4b:s5+s2], $0x80, v3, vm0, $0xb8;
	[tilespmem:$0x18100] =	vst v63  }
0x3f: {  	s14 =	simm.s32 $0x5100  }
0x40: {  	[tilespmem:s14], [sflag:$0x1] =	stream.indirect_vreg.gather [hbm4b:s9+s2], $0x80, v3, vm0, $0xb8;
	[tilespmem:$0x18100] =	vst v63  }
0x41: {  	s17 =	simm.s32 $0x5900  }
0x42: {  	[tilespmem:s17], [sflag:$0x1] =	stream.indirect_vreg.gather [hbm4b:s11+s2], $0x80, v3, vm0, $0xb8;
	[tilespmem:$0x18100] =	vst v63  }
0x43: {  	v3 =	vld [tilespmem:$0x20];
	_ =	sdelay $0x4  }
0x44: {  	v34 =	vshrl.u32 v3, $0x3  }
0x45: {  	v4 =	vmul.u32 $0x30, v34  }
0x46: {  	v3 =	vand.u32 $0x7, v3  }
0x47: {  	v3 =	vor.u32 v3, v4  }
0x48: {  	v4 =	vperm.xlane v3, v0;
	_ =	sdelay $0x1  }
0x49: {  	v4 =	vadd.s32 v1, v4;
	_ =	sdelay $0x3  }
0x4a: {  	s18 =	simm.s32 $0x6100;
	v3 =	vperm.xlane v3, v2  }
0x4b: {  	[tilespmem:s18], [sflag:$0x1] =	stream.indirect_vreg.gather [hbm4b:s5+s2], $0x80, v4, vm0, $0xb8;
	[tilespmem:$0x18100] =	vst v63  }
0x4c: {  	s19 =	simm.s32 $0x6900;
	v3 =	vadd.s32 v1, v3  }
0x4d: {  	[tilespmem:s19], [sflag:$0x1] =	stream.indirect_vreg.gather [hbm4b:s9+s2], $0x80, v4, vm0, $0xb8;
	[tilespmem:$0x18100] =	vst v63  }
0x4e: {  	s21 =	simm.s32 $0x7100  }
0x4f: {  	[tilespmem:s21], [sflag:$0x1] =	stream.indirect_vreg.gather [hbm4b:s11+s2], $0x80, v4, vm0, $0xb8;
	[tilespmem:$0x18100] =	vst v63  }
0x50: {  	s22 =	simm.s32 $0x7900  }
0x51: {  	[tilespmem:s22], [sflag:$0x1] =	stream.indirect_vreg.gather [hbm4b:s5+s2], $0x80, v3, vm0, $0xb8;
	[tilespmem:$0x18100] =	vst v63  }
0x52: {  	s23 =	simm.s32 $0x8100  }
0x53: {  	[tilespmem:s23], [sflag:$0x1] =	stream.indirect_vreg.gather [hbm4b:s9+s2], $0x80, v3, vm0, $0xb8;
	[tilespmem:$0x18100] =	vst v63  }
0x54: {  	s24 =	simm.s32 $0x8900  }
0x55: {  	[tilespmem:s24], [sflag:$0x1] =	stream.indirect_vreg.gather [hbm4b:s11+s2], $0x80, v3, vm0, $0xb8;
	[tilespmem:$0x18100] =	vst v63  }
0x56: {  	v3 =	vld [tilespmem:$0x30];
	_ =	sdelay $0x4  }
0x57: {  	v35 =	vshrl.u32 v3, $0x3  }
0x58: {  	v4 =	vmul.u32 $0x30, v35  }
0x59: {  	v3 =	vand.u32 $0x7, v3  }
0x5a: {  	v3 =	vor.u32 v3, v4  }
0x5b: {  	v4 =	vperm.xlane v3, v0;
	_ =	sdelay $0x1  }
0x5c: {  	v4 =	vadd.s32 v1, v4;
	_ =	sdelay $0x3  }
0x5d: {  	s25 =	simm.s32 $0x9100;
	v3 =	vperm.xlane v3, v2  }
0x5e: {  	[tilespmem:s25], [sflag:$0x1] =	stream.indirect_vreg.gather [hbm4b:s5+s2], $0x80, v4, vm0, $0xb8;
	[tilespmem:$0x18100] =	vst v63  }
0x5f: {  	s29 =	simm.s32 $0x9900;
	v3 =	vadd.s32 v1, v3  }
0x60: {  	[tilespmem:s29], [sflag:$0x1] =	stream.indirect_vreg.gather [hbm4b:s9+s2], $0x80, v4, vm0, $0xb8;
	[tilespmem:$0x18100] =	vst v63  }
0x61: {  	s30 =	simm.s32 $0xA100  }
0x62: {  	[tilespmem:s30], [sflag:$0x1] =	stream.indirect_vreg.gather [hbm4b:s11+s2], $0x80, v4, vm0, $0xb8;
	[tilespmem:$0x18100] =	vst v63  }
0x63: {  	s1 =	simm.s32 $0xA900  }
0x64: {  	[tilespmem:s1], [sflag:$0x1] =	stream.indirect_vreg.gather [hbm4b:s5+s2], $0x80, v3, vm0, $0xb8;
	[tilespmem:$0x18100] =	vst v63  }
0x65: {  	s3 =	simm.s32 $0xB100  }
0x66: {  	[tilespmem:s3], [sflag:$0x1] =	stream.indirect_vreg.gather [hbm4b:s9+s2], $0x80, v3, vm0, $0xb8;
	[tilespmem:$0x18100] =	vst v63  }
0x67: {  	s8 =	simm.s32 $0xB900  }
0x68: {  	[tilespmem:s8], [sflag:$0x1] =	stream.indirect_vreg.gather [hbm4b:s11+s2], $0x80, v3, vm0, $0xb8;
	[tilespmem:$0x18100] =	vst v63  }
0x69: {  	s4 =	rddreg [dreg:$0x4];
	s1 =	simm.s32 $0x80  }
0x6a: {  	[tilespmem:s1], [sflag:$0x3] =	stream.linear.gather [hbm4b:s4+s2], $0x40, $0x38;
	[tilespmem:$0x18100] =	vst v63  }
0x6b: {  	_ =	swait.ge [sflag:s7], $0x40  }
0x6c: {  	[sflag:s7] =	ssyncset.done $0x0  }
0x6d: {  	[sflag:s7] =	ssyncadd.s32 $0xFFFFFFC0  }
0x6e: {  	v3 =	vld [tilespmem:$0x80];
	_ =	sdelay $0x4  }
0x6f: {  	v36 =	vshrl.u32 v3, $0x3  }
0x70: {  	v4 =	vmul.u32 $0x30, v36  }
0x71: {  	v3 =	vand.u32 $0x7, v3  }
0x72: {  	v3 =	vor.u32 v3, v4  }
0x73: {  	v4 =	vperm.xlane v3, v0;
	_ =	sdelay $0x1  }
0x74: {  	v4 =	vadd.s32 v1, v4;
	_ =	sdelay $0x3  }
0x75: {  	v3 =	vperm.xlane v3, v2  }
0x76: {  	[tilespmem:s10], [sflag:$0x2] =	stream.indirect_vreg.gather [hbm4b:s5+s2], $0x80, v4, vm0, $0xb8;
	[tilespmem:$0x18100] =	vst v63  }
0x77: {  	s14 =	simm.s32 $0xC900;
	v3 =	vadd.s32 v1, v3  }
0x78: {  	[tilespmem:s14], [sflag:$0x2] =	stream.indirect_vreg.gather [hbm4b:s9+s2], $0x80, v4, vm0, $0xb8;
	[tilespmem:$0x18100] =	vst v63  }
0x79: {  	s17 =	simm.s32 $0xD100  }
0x7a: {  	[tilespmem:s17], [sflag:$0x2] =	stream.indirect_vreg.gather [hbm4b:s11+s2], $0x80, v4, vm0, $0xb8;
	[tilespmem:$0x18100] =	vst v63  }
0x7b: {  	s18 =	simm.s32 $0xD900  }
0x7c: {  	[tilespmem:s18], [sflag:$0x2] =	stream.indirect_vreg.gather [hbm4b:s5+s2], $0x80, v3, vm0, $0xb8;
	[tilespmem:$0x18100] =	vst v63  }
0x7d: {  	s19 =	simm.s32 $0xE100  }
0x7e: {  	[tilespmem:s19], [sflag:$0x2] =	stream.indirect_vreg.gather [hbm4b:s9+s2], $0x80, v3, vm0, $0xb8;
	[tilespmem:$0x18100] =	vst v63  }
0x7f: {  	s21 =	simm.s32 $0xE900  }
0x80: {  	[tilespmem:s21], [sflag:$0x2] =	stream.indirect_vreg.gather [hbm4b:s11+s2], $0x80, v3, vm0, $0xb8;
	[tilespmem:$0x18100] =	vst v63  }
0x81: {  	v3 =	vld [tilespmem:$0x90];
	_ =	sdelay $0x4  }
0x82: {  	v37 =	vshrl.u32 v3, $0x3  }
0x83: {  	v4 =	vmul.u32 $0x30, v37  }
0x84: {  	v3 =	vand.u32 $0x7, v3  }
0x85: {  	v3 =	vor.u32 v3, v4  }
0x86: {  	v4 =	vperm.xlane v3, v0;
	_ =	sdelay $0x1  }
0x87: {  	v4 =	vadd.s32 v1, v4;
	_ =	sdelay $0x3  }
0x88: {  	s22 =	simm.s32 $0xF100;
	v3 =	vperm.xlane v3, v2  }
0x89: {  	[tilespmem:s22], [sflag:$0x2] =	stream.indirect_vreg.gather [hbm4b:s5+s2], $0x80, v4, vm0, $0xb8;
	[tilespmem:$0x18100] =	vst v63  }
0x8a: {  	s23 =	simm.s32 $0xF900;
	v3 =	vadd.s32 v1, v3  }
0x8b: {  	[tilespmem:s23], [sflag:$0x2] =	stream.indirect_vreg.gather [hbm4b:s9+s2], $0x80, v4, vm0, $0xb8;
	[tilespmem:$0x18100] =	vst v63  }
0x8c: {  	s24 =	simm.s32 $0x10100  }
0x8d: {  	[tilespmem:s24], [sflag:$0x2] =	stream.indirect_vreg.gather [hbm4b:s11+s2], $0x80, v4, vm0, $0xb8;
	[tilespmem:$0x18100] =	vst v63  }
0x8e: {  	s25 =	simm.s32 $0x10900  }
0x8f: {  	[tilespmem:s25], [sflag:$0x2] =	stream.indirect_vreg.gather [hbm4b:s5+s2], $0x80, v3, vm0, $0xb8;
	[tilespmem:$0x18100] =	vst v63  }
0x90: {  	s29 =	simm.s32 $0x11100  }
0x91: {  	[tilespmem:s29], [sflag:$0x2] =	stream.indirect_vreg.gather [hbm4b:s9+s2], $0x80, v3, vm0, $0xb8;
	[tilespmem:$0x18100] =	vst v63  }
0x92: {  	s30 =	simm.s32 $0x11900  }
0x93: {  	[tilespmem:s30], [sflag:$0x2] =	stream.indirect_vreg.gather [hbm4b:s11+s2], $0x80, v3, vm0, $0xb8;
	[tilespmem:$0x18100] =	vst v63  }
0x94: {  	v3 =	vld [tilespmem:$0xA0];
	_ =	sdelay $0x4  }
0x95: {  	v38 =	vshrl.u32 v3, $0x3  }
0x96: {  	v4 =	vmul.u32 $0x30, v38  }
0x97: {  	v3 =	vand.u32 $0x7, v3  }
0x98: {  	v3 =	vor.u32 v3, v4  }
0x99: {  	v4 =	vperm.xlane v3, v0;
	_ =	sdelay $0x1  }
0x9a: {  	v4 =	vadd.s32 v1, v4;
	_ =	sdelay $0x3  }
0x9b: {  	s0 =	simm.s32 $0x12100;
	v3 =	vperm.xlane v3, v2  }
0x9c: {  	[tilespmem:s0], [sflag:$0x2] =	stream.indirect_vreg.gather [hbm4b:s5+s2], $0x80, v4, vm0, $0xb8;
	[tilespmem:$0x18100] =	vst v63  }
0x9d: {  	s1 =	simm.s32 $0x12900;
	v3 =	vadd.s32 v1, v3  }
0x9e: {  	[tilespmem:s1], [sflag:$0x2] =	stream.indirect_vreg.gather [hbm4b:s9+s2], $0x80, v4, vm0, $0xb8;
	[tilespmem:$0x18100] =	vst v63  }
0x9f: {  	s3 =	simm.s32 $0x13100  }
0xa0: {  	[tilespmem:s3], [sflag:$0x2] =	stream.indirect_vreg.gather [hbm4b:s11+s2], $0x80, v4, vm0, $0xb8;
	[tilespmem:$0x18100] =	vst v63  }
0xa1: {  	s4 =	simm.s32 $0x13900  }
0xa2: {  	[tilespmem:s4], [sflag:$0x2] =	stream.indirect_vreg.gather [hbm4b:s5+s2], $0x80, v3, vm0, $0xb8;
	[tilespmem:$0x18100] =	vst v63  }
0xa3: {  	s8 =	simm.s32 $0x14100  }
0xa4: {  	[tilespmem:s8], [sflag:$0x2] =	stream.indirect_vreg.gather [hbm4b:s9+s2], $0x80, v3, vm0, $0xb8;
	[tilespmem:$0x18100] =	vst v63  }
0xa5: {  	s17 =	simm.s32 $0x14900  }
0xa6: {  	[tilespmem:s17], [sflag:$0x2] =	stream.indirect_vreg.gather [hbm4b:s11+s2], $0x80, v3, vm0, $0xb8;
	[tilespmem:$0x18100] =	vst v63  }
0xa7: {  	v3 =	vld [tilespmem:$0xB0];
	_ =	sdelay $0x4  }
0xa8: {  	v39 =	vshrl.u32 v3, $0x3  }
0xa9: {  	v4 =	vmul.u32 $0x30, v39  }
0xaa: {  	v3 =	vand.u32 $0x7, v3  }
0xab: {  	v3 =	vor.u32 v3, v4  }
0xac: {  	v4 =	vperm.xlane v3, v0;
	_ =	sdelay $0x1  }
0xad: {  	v4 =	vadd.s32 v1, v4;
	_ =	sdelay $0x3  }
0xae: {  	s18 =	simm.s32 $0x15100;
	v3 =	vperm.xlane v3, v2  }
0xaf: {  	[tilespmem:s18], [sflag:$0x2] =	stream.indirect_vreg.gather [hbm4b:s5+s2], $0x80, v4, vm0, $0xb8;
	[tilespmem:$0x18100] =	vst v63  }
0xb0: {  	s19 =	simm.s32 $0x15900;
	v3 =	vadd.s32 v1, v3  }
0xb1: {  	[tilespmem:s19], [sflag:$0x2] =	stream.indirect_vreg.gather [hbm4b:s9+s2], $0x80, v4, vm0, $0xb8;
	[tilespmem:$0x18100] =	vst v63  }
0xb2: {  	s22 =	simm.s32 $0x16100  }
0xb3: {  	[tilespmem:s22], [sflag:$0x2] =	stream.indirect_vreg.gather [hbm4b:s11+s2], $0x80, v4, vm0, $0xb8;
	[tilespmem:$0x18100] =	vst v63  }
0xb4: {  	s23 =	simm.s32 $0x16900  }
0xb5: {  	[tilespmem:s23], [sflag:$0x2] =	stream.indirect_vreg.gather [hbm4b:s5+s2], $0x80, v3, vm0, $0xb8;
	[tilespmem:$0x18100] =	vst v63  }
0xb6: {  	s24 =	simm.s32 $0x17100  }
0xb7: {  	[tilespmem:s24], [sflag:$0x2] =	stream.indirect_vreg.gather [hbm4b:s9+s2], $0x80, v3, vm0, $0xb8;
	[tilespmem:$0x18100] =	vst v63  }
0xb8: {  	s25 =	simm.s32 $0x17900  }
0xb9: {  	[tilespmem:s25], [sflag:$0x2] =	stream.indirect_vreg.gather [hbm4b:s11+s2], $0x80, v3, vm0, $0xb8;
	[tilespmem:$0x18100] =	vst v63  }
0xba: {  	_ =	swait.ge [sflag:s12], $0xC000  }
0xbb: {  	[sflag:s12] =	ssyncset.done $0x0  }
0xbc: {  	s29 =	rddreg [dreg:$0x13];
	[sflag:s12] =	ssyncadd.s32 $0xFFFF4000  }
0xbd: {  	[hbm4b:s29+s2] =	stream.linear.scatter [tilespmem:s20], [sflag:$0x3], $0xC000, $0x38;
	[tilespmem:$0x18100] =	vst v63  }
0xbe: {  	_ =	swait.ge [sflag:s7], $0xC000  }
0xbf: {  	[sflag:s7] =	ssyncset.done $0x0  }
0xc0: {  	s30 =	rddreg [dreg:$0x5];
	[sflag:s7] =	ssyncadd.s32 $0xFFFF4000  }
0xc1: {  	[tilespmem:s2], [sflag:$0x3] =	stream.linear.gather [hbm4b:s30+s2], $0x40, $0x38;
	[tilespmem:$0x18100] =	vst v63  }
0xc2: {  	_ =	swait.ge [sflag:s7], $0x40  }
0xc3: {  	[sflag:s7] =	ssyncset.done $0x0  }
0xc4: {  	[sflag:s7] =	ssyncadd.s32 $0xFFFFFFC0  }
0xc5: {  	v3 =	vld [tilespmem:$0x0];
	_ =	sdelay $0x4  }
0xc6: {  	v40 =	vshrl.u32 v3, $0x3  }
0xc7: {  	v4 =	vmul.u32 $0x30, v40  }
0xc8: {  	v3 =	vand.u32 $0x7, v3  }
0xc9: {  	v3 =	vor.u32 v3, v4  }
0xca: {  	v4 =	vperm.xlane v3, v0;
	_ =	sdelay $0x1  }
0xcb: {  	v4 =	vadd.s32 v1, v4;
	_ =	sdelay $0x3  }
0xcc: {  	v3 =	vperm.xlane v3, v2  }
0xcd: {  	[tilespmem:s20], [sflag:$0x1] =	stream.indirect_vreg.gather [hbm4b:s5+s2], $0x80, v4, vm0, $0xb8;
	[tilespmem:$0x18100] =	vst v63  }
0xce: {  	s1 =	simm.s32 $0x900;
	v3 =	vadd.s32 v1, v3  }
0xcf: {  	[tilespmem:s1], [sflag:$0x1] =	stream.indirect_vreg.gather [hbm4b:s9+s2], $0x80, v4, vm0, $0xb8;
	[tilespmem:$0x18100] =	vst v63  }
0xd0: {  	s3 =	simm.s32 $0x1100  }
0xd1: {  	[tilespmem:s3], [sflag:$0x1] =	stream.indirect_vreg.gather [hbm4b:s11+s2], $0x80, v4, vm0, $0xb8;
	[tilespmem:$0x18100] =	vst v63  }
0xd2: {  	s4 =	simm.s32 $0x1900  }
0xd3: {  	[tilespmem:s4], [sflag:$0x1] =	stream.indirect_vreg.gather [hbm4b:s5+s2], $0x80, v3, vm0, $0xb8;
	[tilespmem:$0x18100] =	vst v63  }
0xd4: {  	s8 =	simm.s32 $0x2100  }
0xd5: {  	[tilespmem:s8], [sflag:$0x1] =	stream.indirect_vreg.gather [hbm4b:s9+s2], $0x80, v3, vm0, $0xb8;
	[tilespmem:$0x18100] =	vst v63  }
0xd6: {  	s15 =	simm.s32 $0x2900  }
0xd7: {  	[tilespmem:s15], [sflag:$0x1] =	stream.indirect_vreg.gather [hbm4b:s11+s2], $0x80, v3, vm0, $0xb8;
	[tilespmem:$0x18100] =	vst v63  }
0xd8: {  	v3 =	vld [tilespmem:$0x10];
	_ =	sdelay $0x4  }
0xd9: {  	v41 =	vshrl.u32 v3, $0x3  }
0xda: {  	v4 =	vmul.u32 $0x30, v41  }
0xdb: {  	v3 =	vand.u32 $0x7, v3  }
0xdc: {  	v3 =	vor.u32 v3, v4  }
0xdd: {  	v4 =	vperm.xlane v3, v0;
	_ =	sdelay $0x1  }
0xde: {  	v4 =	vadd.s32 v1, v4;
	_ =	sdelay $0x3  }
0xdf: {  	s16 =	simm.s32 $0x3100;
	v3 =	vperm.xlane v3, v2  }
0xe0: {  	[tilespmem:s16], [sflag:$0x1] =	stream.indirect_vreg.gather [hbm4b:s5+s2], $0x80, v4, vm0, $0xb8;
	[tilespmem:$0x18100] =	vst v63  }
0xe1: {  	s22 =	simm.s32 $0x3900;
	v3 =	vadd.s32 v1, v3  }
0xe2: {  	[tilespmem:s22], [sflag:$0x1] =	stream.indirect_vreg.gather [hbm4b:s9+s2], $0x80, v4, vm0, $0xb8;
	[tilespmem:$0x18100] =	vst v63  }
0xe3: {  	s23 =	simm.s32 $0x4100  }
0xe4: {  	[tilespmem:s23], [sflag:$0x1] =	stream.indirect_vreg.gather [hbm4b:s11+s2], $0x80, v4, vm0, $0xb8;
	[tilespmem:$0x18100] =	vst v63  }
0xe5: {  	s24 =	simm.s32 $0x4900  }
0xe6: {  	[tilespmem:s24], [sflag:$0x1] =	stream.indirect_vreg.gather [hbm4b:s5+s2], $0x80, v3, vm0, $0xb8;
	[tilespmem:$0x18100] =	vst v63  }
0xe7: {  	s25 =	simm.s32 $0x5100  }
0xe8: {  	[tilespmem:s25], [sflag:$0x1] =	stream.indirect_vreg.gather [hbm4b:s9+s2], $0x80, v3, vm0, $0xb8;
	[tilespmem:$0x18100] =	vst v63  }
0xe9: {  	s26 =	simm.s32 $0x5900  }
0xea: {  	[tilespmem:s26], [sflag:$0x1] =	stream.indirect_vreg.gather [hbm4b:s11+s2], $0x80, v3, vm0, $0xb8;
	[tilespmem:$0x18100] =	vst v63  }
0xeb: {  	v3 =	vld [tilespmem:$0x20];
	_ =	sdelay $0x4  }
0xec: {  	v42 =	vshrl.u32 v3, $0x3  }
0xed: {  	v4 =	vmul.u32 $0x30, v42  }
0xee: {  	v3 =	vand.u32 $0x7, v3  }
0xef: {  	v3 =	vor.u32 v3, v4  }
0xf0: {  	v4 =	vperm.xlane v3, v0;
	_ =	sdelay $0x1  }
0xf1: {  	v4 =	vadd.s32 v1, v4;
	_ =	sdelay $0x3  }
0xf2: {  	s28 =	simm.s32 $0x6100;
	v3 =	vperm.xlane v3, v2  }
0xf3: {  	[tilespmem:s28], [sflag:$0x1] =	stream.indirect_vreg.gather [hbm4b:s5+s2], $0x80, v4, vm0, $0xb8;
	[tilespmem:$0x18100] =	vst v63  }
0xf4: {  	s26 =	simm.s32 $0x6900;
	v3 =	vadd.s32 v1, v3  }
0xf5: {  	[tilespmem:s26], [sflag:$0x1] =	stream.indirect_vreg.gather [hbm4b:s9+s2], $0x80, v4, vm0, $0xb8;
	[tilespmem:$0x18100] =	vst v63  }
0xf6: {  	s28 =	simm.s32 $0x7100  }
0xf7: {  	[tilespmem:s28], [sflag:$0x1] =	stream.indirect_vreg.gather [hbm4b:s11+s2], $0x80, v4, vm0, $0xb8;
	[tilespmem:$0x18100] =	vst v63  }
0xf8: {  	s29 =	simm.s32 $0x7900  }
0xf9: {  	[tilespmem:s29], [sflag:$0x1] =	stream.indirect_vreg.gather [hbm4b:s5+s2], $0x80, v3, vm0, $0xb8;
	[tilespmem:$0x18100] =	vst v63  }
0xfa: {  	s30 =	simm.s32 $0x8100  }
0xfb: {  	[tilespmem:s30], [sflag:$0x1] =	stream.indirect_vreg.gather [hbm4b:s9+s2], $0x80, v3, vm0, $0xb8;
	[tilespmem:$0x18100] =	vst v63  }
0xfc: {  	s31 =	simm.s32 $0x8900  }
0xfd: {  	[tilespmem:s31], [sflag:$0x1] =	stream.indirect_vreg.gather [hbm4b:s11+s2], $0x80, v3, vm0, $0xb8;
	[tilespmem:$0x18100] =	vst v63  }
0xfe: {  	v3 =	vld [tilespmem:$0x30];
	_ =	sdelay $0x4  }
0xff: {  	v43 =	vshrl.u32 v3, $0x3  }
0x100: {  	v4 =	vmul.u32 $0x30, v43  }
0x101: {  	v3 =	vand.u32 $0x7, v3  }
0x102: {  	v3 =	vor.u32 v3, v4  }
0x103: {  	v4 =	vperm.xlane v3, v0;
	_ =	sdelay $0x1  }
0x104: {  	v4 =	vadd.s32 v1, v4;
	_ =	sdelay $0x3  }
0x105: {  	s17 =	simm.s32 $0x9100;
	v3 =	vperm.xlane v3, v2  }
0x106: {  	[tilespmem:s17], [sflag:$0x1] =	stream.indirect_vreg.gather [hbm4b:s5+s2], $0x80, v4, vm0, $0xb8;
	[tilespmem:$0x18100] =	vst v63  }
0x107: {  	s31 =	simm.s32 $0x9900;
	v3 =	vadd.s32 v1, v3  }
0x108: {  	[tilespmem:s31], [sflag:$0x1] =	stream.indirect_vreg.gather [hbm4b:s9+s2], $0x80, v4, vm0, $0xb8;
	[tilespmem:$0x18100] =	vst v63  }
0x109: {  	s15 =	simm.s32 $0xA100  }
0x10a: {  	[tilespmem:s15], [sflag:$0x1] =	stream.indirect_vreg.gather [hbm4b:s11+s2], $0x80, v4, vm0, $0xb8;
	[tilespmem:$0x18100] =	vst v63  }
0x10b: {  	s16 =	simm.s32 $0xA900  }
0x10c: {  	[tilespmem:s16], [sflag:$0x1] =	stream.indirect_vreg.gather [hbm4b:s5+s2], $0x80, v3, vm0, $0xb8;
	[tilespmem:$0x18100] =	vst v63  }
0x10d: {  	s18 =	simm.s32 $0xB100  }
0x10e: {  	[tilespmem:s18], [sflag:$0x1] =	stream.indirect_vreg.gather [hbm4b:s9+s2], $0x80, v3, vm0, $0xb8;
	[tilespmem:$0x18100] =	vst v63  }
0x10f: {  	s19 =	simm.s32 $0xB900  }
0x110: {  	[tilespmem:s19], [sflag:$0x1] =	stream.indirect_vreg.gather [hbm4b:s11+s2], $0x80, v3, vm0, $0xb8;
	[tilespmem:$0x18100] =	vst v63  }
0x111: {  	_ =	swait.ge [sflag:s13], $0xC000  }
0x112: {  	[sflag:s13] =	ssyncset.done $0x0  }
0x113: {  	s0 =	rddreg [dreg:$0x6];
	[sflag:s13] =	ssyncadd.s32 $0xFFFF4000  }
0x114: {  	[hbm4b:s0+s2] =	stream.linear.scatter [tilespmem:s10], [sflag:$0x3], $0xC000, $0x38;
	[tilespmem:$0x18100] =	vst v63  }
0x115: {  	_ =	swait.ge [sflag:s7], $0xC000  }
0x116: {  	[sflag:s7] =	ssyncset.done $0x0  }
0x117: {  	s0 =	simm.s32 $0x80;
	s14 =	rddreg [dreg:$0x7];
	[sflag:s7] =	ssyncadd.s32 $0xFFFF4000  }
0x118: {  	[tilespmem:s0], [sflag:$0x3] =	stream.linear.gather [hbm4b:s14+s2], $0x40, $0x38;
	[tilespmem:$0x18100] =	vst v63  }
0x119: {  	_ =	swait.ge [sflag:s7], $0x40  }
0x11a: {  	[sflag:s7] =	ssyncset.done $0x0  }
0x11b: {  	[sflag:s7] =	ssyncadd.s32 $0xFFFFFFC0  }
0x11c: {  	v3 =	vld [tilespmem:$0x80];
	_ =	sdelay $0x4  }
0x11d: {  	v44 =	vshrl.u32 v3, $0x3  }
0x11e: {  	v4 =	vmul.u32 $0x30, v44  }
0x11f: {  	v3 =	vand.u32 $0x7, v3  }
0x120: {  	v3 =	vor.u32 v3, v4  }
0x121: {  	v4 =	vperm.xlane v3, v0;
	_ =	sdelay $0x1  }
0x122: {  	v4 =	vadd.s32 v1, v4;
	_ =	sdelay $0x3  }
0x123: {  	v3 =	vperm.xlane v3, v2  }
0x124: {  	[tilespmem:s10], [sflag:$0x2] =	stream.indirect_vreg.gather [hbm4b:s5+s2], $0x80, v4, vm0, $0xb8;
	[tilespmem:$0x18100] =	vst v63  }
0x125: {  	s14 =	simm.s32 $0xC900;
	v3 =	vadd.s32 v1, v3  }
0x126: {  	[tilespmem:s14], [sflag:$0x2] =	stream.indirect_vreg.gather [hbm4b:s9+s2], $0x80, v4, vm0, $0xb8;
	[tilespmem:$0x18100] =	vst v63  }
0x127: {  	s14 =	simm.s32 $0xD100  }
0x128: {  	[tilespmem:s14], [sflag:$0x2] =	stream.indirect_vreg.gather [hbm4b:s11+s2], $0x80, v4, vm0, $0xb8;
	[tilespmem:$0x18100] =	vst v63  }
0x129: {  	s14 =	simm.s32 $0xD900  }
0x12a: {  	[tilespmem:s14], [sflag:$0x2] =	stream.indirect_vreg.gather [hbm4b:s5+s2], $0x80, v3, vm0, $0xb8;
	[tilespmem:$0x18100] =	vst v63  }
0x12b: {  	s14 =	simm.s32 $0xE100  }
0x12c: {  	[tilespmem:s14], [sflag:$0x2] =	stream.indirect_vreg.gather [hbm4b:s9+s2], $0x80, v3, vm0, $0xb8;
	[tilespmem:$0x18100] =	vst v63  }
0x12d: {  	s14 =	simm.s32 $0xE900  }
0x12e: {  	[tilespmem:s14], [sflag:$0x2] =	stream.indirect_vreg.gather [hbm4b:s11+s2], $0x80, v3, vm0, $0xb8;
	[tilespmem:$0x18100] =	vst v63  }
0x12f: {  	v3 =	vld [tilespmem:$0x90];
	_ =	sdelay $0x4  }
0x130: {  	v45 =	vshrl.u32 v3, $0x3  }
0x131: {  	v4 =	vmul.u32 $0x30, v45  }
0x132: {  	v3 =	vand.u32 $0x7, v3  }
0x133: {  	v3 =	vor.u32 v3, v4  }
0x134: {  	v4 =	vperm.xlane v3, v0;
	_ =	sdelay $0x1  }
0x135: {  	v4 =	vadd.s32 v1, v4;
	_ =	sdelay $0x3  }
0x136: {  	s14 =	simm.s32 $0xF100;
	v3 =	vperm.xlane v3, v2  }
0x137: {  	[tilespmem:s14], [sflag:$0x2] =	stream.indirect_vreg.gather [hbm4b:s5+s2], $0x80, v4, vm0, $0xb8;
	[tilespmem:$0x18100] =	vst v63  }
0x138: {  	v3 =	vadd.s32 v1, v3;
	s14 =	simm.s32 $0xF900  }
0x139: {  	[tilespmem:s14], [sflag:$0x2] =	stream.indirect_vreg.gather [hbm4b:s9+s2], $0x80, v4, vm0, $0xb8;
	[tilespmem:$0x18100] =	vst v63  }
0x13a: {  	s14 =	simm.s32 $0x10100  }
0x13b: {  	[tilespmem:s14], [sflag:$0x2] =	stream.indirect_vreg.gather [hbm4b:s11+s2], $0x80, v4, vm0, $0xb8;
	[tilespmem:$0x18100] =	vst v63  }
0x13c: {  	s14 =	simm.s32 $0x10900  }
0x13d: {  	[tilespmem:s14], [sflag:$0x2] =	stream.indirect_vreg.gather [hbm4b:s5+s2], $0x80, v3, vm0, $0xb8;
	[tilespmem:$0x18100] =	vst v63  }
0x13e: {  	s14 =	simm.s32 $0x11100  }
0x13f: {  	[tilespmem:s14], [sflag:$0x2] =	stream.indirect_vreg.gather [hbm4b:s9+s2], $0x80, v3, vm0, $0xb8;
	[tilespmem:$0x18100] =	vst v63  }
0x140: {  	s21 =	simm.s32 $0x11900  }
0x141: {  	[tilespmem:s21], [sflag:$0x2] =	stream.indirect_vreg.gather [hbm4b:s11+s2], $0x80, v3, vm0, $0xb8;
	[tilespmem:$0x18100] =	vst v63  }
0x142: {  	v3 =	vld [tilespmem:$0xA0];
	_ =	sdelay $0x4  }
0x143: {  	v46 =	vshrl.u32 v3, $0x3  }
0x144: {  	v4 =	vmul.u32 $0x30, v46  }
0x145: {  	v3 =	vand.u32 $0x7, v3  }
0x146: {  	v3 =	vor.u32 v3, v4  }
0x147: {  	v4 =	vperm.xlane v3, v0;
	_ =	sdelay $0x1  }
0x148: {  	v4 =	vadd.s32 v1, v4;
	_ =	sdelay $0x3  }
0x149: {  	s21 =	simm.s32 $0x12100;
	v3 =	vperm.xlane v3, v2  }
0x14a: {  	[tilespmem:s21], [sflag:$0x2] =	stream.indirect_vreg.gather [hbm4b:s5+s2], $0x80, v4, vm0, $0xb8;
	[tilespmem:$0x18100] =	vst v63  }
0x14b: {  	v3 =	vadd.s32 v1, v3;
	s21 =	simm.s32 $0x12900  }
0x14c: {  	[tilespmem:s21], [sflag:$0x2] =	stream.indirect_vreg.gather [hbm4b:s9+s2], $0x80, v4, vm0, $0xb8;
	[tilespmem:$0x18100] =	vst v63  }
0x14d: {  	s21 =	simm.s32 $0x13100  }
0x14e: {  	[tilespmem:s21], [sflag:$0x2] =	stream.indirect_vreg.gather [hbm4b:s11+s2], $0x80, v4, vm0, $0xb8;
	[tilespmem:$0x18100] =	vst v63  }
0x14f: {  	s21 =	simm.s32 $0x13900  }
0x150: {  	[tilespmem:s21], [sflag:$0x2] =	stream.indirect_vreg.gather [hbm4b:s5+s2], $0x80, v3, vm0, $0xb8;
	[tilespmem:$0x18100] =	vst v63  }
0x151: {  	s21 =	simm.s32 $0x14100  }
0x152: {  	[tilespmem:s21], [sflag:$0x2] =	stream.indirect_vreg.gather [hbm4b:s9+s2], $0x80, v3, vm0, $0xb8;
	[tilespmem:$0x18100] =	vst v63  }
0x153: {  	s21 =	simm.s32 $0x14900  }
0x154: {  	[tilespmem:s21], [sflag:$0x2] =	stream.indirect_vreg.gather [hbm4b:s11+s2], $0x80, v3, vm0, $0xb8;
	[tilespmem:$0x18100] =	vst v63  }
0x155: {  	v3 =	vld [tilespmem:$0xB0];
	_ =	sdelay $0x4  }
0x156: {  	v47 =	vshrl.u32 v3, $0x3  }
0x157: {  	v4 =	vmul.u32 $0x30, v47  }
0x158: {  	v3 =	vand.u32 $0x7, v3  }
0x159: {  	v3 =	vor.u32 v3, v4  }
0x15a: {  	v4 =	vperm.xlane v3, v0;
	_ =	sdelay $0x1  }
0x15b: {  	v4 =	vadd.s32 v1, v4;
	_ =	sdelay $0x3  }
0x15c: {  	s21 =	simm.s32 $0x15100;
	v3 =	vperm.xlane v3, v2  }
0x15d: {  	[tilespmem:s21], [sflag:$0x2] =	stream.indirect_vreg.gather [hbm4b:s5+s2], $0x80, v4, vm0, $0xb8;
	[tilespmem:$0x18100] =	vst v63  }
0x15e: {  	v3 =	vadd.s32 v1, v3;
	s21 =	simm.s32 $0x15900  }
0x15f: {  	[tilespmem:s21], [sflag:$0x2] =	stream.indirect_vreg.gather [hbm4b:s9+s2], $0x80, v4, vm0, $0xb8;
	[tilespmem:$0x18100] =	vst v63  }
0x160: {  	s21 =	simm.s32 $0x16100  }
0x161: {  	[tilespmem:s21], [sflag:$0x2] =	stream.indirect_vreg.gather [hbm4b:s11+s2], $0x80, v4, vm0, $0xb8;
	[tilespmem:$0x18100] =	vst v63  }
0x162: {  	s21 =	simm.s32 $0x16900  }
0x163: {  	[tilespmem:s21], [sflag:$0x2] =	stream.indirect_vreg.gather [hbm4b:s5+s2], $0x80, v3, vm0, $0xb8;
	[tilespmem:$0x18100] =	vst v63  }
0x164: {  	s21 =	simm.s32 $0x17100  }
0x165: {  	[tilespmem:s21], [sflag:$0x2] =	stream.indirect_vreg.gather [hbm4b:s9+s2], $0x80, v3, vm0, $0xb8;
	[tilespmem:$0x18100] =	vst v63  }
0x166: {  	s21 =	simm.s32 $0x17900  }
0x167: {  	[tilespmem:s21], [sflag:$0x2] =	stream.indirect_vreg.gather [hbm4b:s11+s2], $0x80, v3, vm0, $0xb8;
	[tilespmem:$0x18100] =	vst v63  }
0x168: {  	_ =	swait.ge [sflag:s12], $0xC000  }
0x169: {  	[sflag:s12] =	ssyncset.done $0x0  }
0x16a: {  	s21 =	rddreg [dreg:$0x8];
	[sflag:s12] =	ssyncadd.s32 $0xFFFF4000  }
0x16b: {  	[hbm4b:s21+s2] =	stream.linear.scatter [tilespmem:s20], [sflag:$0x3], $0xC000, $0x38;
	[tilespmem:$0x18100] =	vst v63  }
0x16c: {  	_ =	swait.ge [sflag:s7], $0xC000  }
0x16d: {  	[sflag:s7] =	ssyncset.done $0x0  }
0x16e: {  	s21 =	rddreg [dreg:$0x9];
	[sflag:s7] =	ssyncadd.s32 $0xFFFF4000  }
0x16f: {  	[tilespmem:s2], [sflag:$0x3] =	stream.linear.gather [hbm4b:s21+s2], $0x40, $0x38;
	[tilespmem:$0x18100] =	vst v63  }
0x170: {  	_ =	swait.ge [sflag:s7], $0x40  }
0x171: {  	[sflag:s7] =	ssyncset.done $0x0  }
0x172: {  	[sflag:s7] =	ssyncadd.s32 $0xFFFFFFC0  }
0x173: {  	v3 =	vld [tilespmem:$0x0];
	_ =	sdelay $0x4  }
0x174: {  	v48 =	vshrl.u32 v3, $0x3  }
0x175: {  	v4 =	vmul.u32 $0x30, v48  }
0x176: {  	v3 =	vand.u32 $0x7, v3  }
0x177: {  	v3 =	vor.u32 v3, v4  }
0x178: {  	v4 =	vperm.xlane v3, v0;
	_ =	sdelay $0x1  }
0x179: {  	v4 =	vadd.s32 v1, v4;
	_ =	sdelay $0x3  }
0x17a: {  	v3 =	vperm.xlane v3, v2  }
0x17b: {  	[tilespmem:s20], [sflag:$0x1] =	stream.indirect_vreg.gather [hbm4b:s5+s2], $0x80, v4, vm0, $0xb8;
	[tilespmem:$0x18100] =	vst v63  }
0x17c: {  	v3 =	vadd.s32 v1, v3  }
0x17d: {  	[tilespmem:s1], [sflag:$0x1] =	stream.indirect_vreg.gather [hbm4b:s9+s2], $0x80, v4, vm0, $0xb8;
	[tilespmem:$0x18100] =	vst v63  }
0x17e: {  	_ = 	snop  }
0x17f: {  	[tilespmem:s3], [sflag:$0x1] =	stream.indirect_vreg.gather [hbm4b:s11+s2], $0x80, v4, vm0, $0xb8;
	[tilespmem:$0x18100] =	vst v63  }
0x180: {  	_ = 	snop  }
0x181: {  	[tilespmem:s4], [sflag:$0x1] =	stream.indirect_vreg.gather [hbm4b:s5+s2], $0x80, v3, vm0, $0xb8;
	[tilespmem:$0x18100] =	vst v63  }
0x182: {  	_ = 	snop  }
0x183: {  	[tilespmem:s8], [sflag:$0x1] =	stream.indirect_vreg.gather [hbm4b:s9+s2], $0x80, v3, vm0, $0xb8;
	[tilespmem:$0x18100] =	vst v63  }
0x184: {  	s21 =	simm.s32 $0x2900  }
0x185: {  	[tilespmem:s21], [sflag:$0x1] =	stream.indirect_vreg.gather [hbm4b:s11+s2], $0x80, v3, vm0, $0xb8;
	[tilespmem:$0x18100] =	vst v63  }
0x186: {  	v3 =	vld [tilespmem:$0x10];
	_ =	sdelay $0x4  }
0x187: {  	v49 =	vshrl.u32 v3, $0x3  }
0x188: {  	v4 =	vmul.u32 $0x30, v49  }
0x189: {  	v3 =	vand.u32 $0x7, v3  }
0x18a: {  	v3 =	vor.u32 v3, v4  }
0x18b: {  	v4 =	vperm.xlane v3, v0;
	_ =	sdelay $0x1  }
0x18c: {  	v4 =	vadd.s32 v1, v4;
	_ =	sdelay $0x3  }
0x18d: {  	s21 =	simm.s32 $0x3100;
	v3 =	vperm.xlane v3, v2  }
0x18e: {  	[tilespmem:s21], [sflag:$0x1] =	stream.indirect_vreg.gather [hbm4b:s5+s2], $0x80, v4, vm0, $0xb8;
	[tilespmem:$0x18100] =	vst v63  }
0x18f: {  	v3 =	vadd.s32 v1, v3  }
0x190: {  	[tilespmem:s22], [sflag:$0x1] =	stream.indirect_vreg.gather [hbm4b:s9+s2], $0x80, v4, vm0, $0xb8;
	[tilespmem:$0x18100] =	vst v63  }
0x191: {  	_ = 	snop  }
0x192: {  	[tilespmem:s23], [sflag:$0x1] =	stream.indirect_vreg.gather [hbm4b:s11+s2], $0x80, v4, vm0, $0xb8;
	[tilespmem:$0x18100] =	vst v63  }
0x193: {  	_ = 	snop  }
0x194: {  	[tilespmem:s24], [sflag:$0x1] =	stream.indirect_vreg.gather [hbm4b:s5+s2], $0x80, v3, vm0, $0xb8;
	[tilespmem:$0x18100] =	vst v63  }
0x195: {  	_ = 	snop  }
0x196: {  	[tilespmem:s25], [sflag:$0x1] =	stream.indirect_vreg.gather [hbm4b:s9+s2], $0x80, v3, vm0, $0xb8;
	[tilespmem:$0x18100] =	vst v63  }
0x197: {  	s25 =	simm.s32 $0x5900  }
0x198: {  	[tilespmem:s25], [sflag:$0x1] =	stream.indirect_vreg.gather [hbm4b:s11+s2], $0x80, v3, vm0, $0xb8;
	[tilespmem:$0x18100] =	vst v63  }
0x199: {  	v3 =	vld [tilespmem:$0x20];
	_ =	sdelay $0x4  }
0x19a: {  	v50 =	vshrl.u32 v3, $0x3  }
0x19b: {  	v4 =	vmul.u32 $0x30, v50  }
0x19c: {  	v3 =	vand.u32 $0x7, v3  }
0x19d: {  	v3 =	vor.u32 v3, v4  }
0x19e: {  	v4 =	vperm.xlane v3, v0;
	_ =	sdelay $0x1  }
0x19f: {  	v4 =	vadd.s32 v1, v4;
	_ =	sdelay $0x3  }
0x1a0: {  	s25 =	simm.s32 $0x6100;
	v3 =	vperm.xlane v3, v2  }
0x1a1: {  	[tilespmem:s25], [sflag:$0x1] =	stream.indirect_vreg.gather [hbm4b:s5+s2], $0x80, v4, vm0, $0xb8;
	[tilespmem:$0x18100] =	vst v63  }
0x1a2: {  	v3 =	vadd.s32 v1, v3  }
0x1a3: {  	[tilespmem:s26], [sflag:$0x1] =	stream.indirect_vreg.gather [hbm4b:s9+s2], $0x80, v4, vm0, $0xb8;
	[tilespmem:$0x18100] =	vst v63  }
0x1a4: {  	_ = 	snop  }
0x1a5: {  	[tilespmem:s28], [sflag:$0x1] =	stream.indirect_vreg.gather [hbm4b:s11+s2], $0x80, v4, vm0, $0xb8;
	[tilespmem:$0x18100] =	vst v63  }
0x1a6: {  	_ = 	snop  }
0x1a7: {  	[tilespmem:s29], [sflag:$0x1] =	stream.indirect_vreg.gather [hbm4b:s5+s2], $0x80, v3, vm0, $0xb8;
	[tilespmem:$0x18100] =	vst v63  }
0x1a8: {  	_ = 	snop  }
0x1a9: {  	[tilespmem:s30], [sflag:$0x1] =	stream.indirect_vreg.gather [hbm4b:s9+s2], $0x80, v3, vm0, $0xb8;
	[tilespmem:$0x18100] =	vst v63  }
0x1aa: {  	s30 =	simm.s32 $0x8900  }
0x1ab: {  	[tilespmem:s30], [sflag:$0x1] =	stream.indirect_vreg.gather [hbm4b:s11+s2], $0x80, v3, vm0, $0xb8;
	[tilespmem:$0x18100] =	vst v63  }
0x1ac: {  	v3 =	vld [tilespmem:$0x30];
	_ =	sdelay $0x4  }
0x1ad: {  	v51 =	vshrl.u32 v3, $0x3  }
0x1ae: {  	v4 =	vmul.u32 $0x30, v51  }
0x1af: {  	v3 =	vand.u32 $0x7, v3  }
0x1b0: {  	v3 =	vor.u32 v3, v4  }
0x1b1: {  	v4 =	vperm.xlane v3, v0;
	_ =	sdelay $0x1  }
0x1b2: {  	v4 =	vadd.s32 v1, v4;
	_ =	sdelay $0x3  }
0x1b3: {  	v3 =	vperm.xlane v3, v2  }
0x1b4: {  	[tilespmem:s17], [sflag:$0x1] =	stream.indirect_vreg.gather [hbm4b:s5+s2], $0x80, v4, vm0, $0xb8;
	[tilespmem:$0x18100] =	vst v63  }
0x1b5: {  	v3 =	vadd.s32 v1, v3  }
0x1b6: {  	[tilespmem:s31], [sflag:$0x1] =	stream.indirect_vreg.gather [hbm4b:s9+s2], $0x80, v4, vm0, $0xb8;
	[tilespmem:$0x18100] =	vst v63  }
0x1b7: {  	_ = 	snop  }
0x1b8: {  	[tilespmem:s15], [sflag:$0x1] =	stream.indirect_vreg.gather [hbm4b:s11+s2], $0x80, v4, vm0, $0xb8;
	[tilespmem:$0x18100] =	vst v63  }
0x1b9: {  	_ = 	snop  }
0x1ba: {  	[tilespmem:s16], [sflag:$0x1] =	stream.indirect_vreg.gather [hbm4b:s5+s2], $0x80, v3, vm0, $0xb8;
	[tilespmem:$0x18100] =	vst v63  }
0x1bb: {  	_ = 	snop  }
0x1bc: {  	[tilespmem:s18], [sflag:$0x1] =	stream.indirect_vreg.gather [hbm4b:s9+s2], $0x80, v3, vm0, $0xb8;
	[tilespmem:$0x18100] =	vst v63  }
0x1bd: {  	_ = 	snop  }
0x1be: {  	[tilespmem:s19], [sflag:$0x1] =	stream.indirect_vreg.gather [hbm4b:s11+s2], $0x80, v3, vm0, $0xb8;
	[tilespmem:$0x18100] =	vst v63  }
0x1bf: {  	_ =	swait.ge [sflag:s13], $0xC000  }
0x1c0: {  	[sflag:s13] =	ssyncset.done $0x0  }
0x1c1: {  	s31 =	rddreg [dreg:$0xa];
	[sflag:s13] =	ssyncadd.s32 $0xFFFF4000  }
0x1c2: {  	[hbm4b:s31+s2] =	stream.linear.scatter [tilespmem:s10], [sflag:$0x3], $0xC000, $0x38;
	[tilespmem:$0x18100] =	vst v63  }
0x1c3: {  	_ =	swait.ge [sflag:s7], $0xC000  }
0x1c4: {  	[sflag:s7] =	ssyncset.done $0x0  }
0x1c5: {  	s31 =	rddreg [dreg:$0xb];
	[sflag:s7] =	ssyncadd.s32 $0xFFFF4000  }
0x1c6: {  	[tilespmem:s0], [sflag:$0x3] =	stream.linear.gather [hbm4b:s31+s2], $0x40, $0x38;
	[tilespmem:$0x18100] =	vst v63  }
0x1c7: {  	_ =	swait.ge [sflag:s7], $0x40  }
0x1c8: {  	[sflag:s7] =	ssyncset.done $0x0  }
0x1c9: {  	[sflag:s7] =	ssyncadd.s32 $0xFFFFFFC0  }
0x1ca: {  	v3 =	vld [tilespmem:$0x80];
	_ =	sdelay $0x4  }
0x1cb: {  	v52 =	vshrl.u32 v3, $0x3  }
0x1cc: {  	v4 =	vmul.u32 $0x30, v52  }
0x1cd: {  	v3 =	vand.u32 $0x7, v3  }
0x1ce: {  	v3 =	vor.u32 v3, v4  }
0x1cf: {  	v4 =	vperm.xlane v3, v0;
	_ =	sdelay $0x1  }
0x1d0: {  	v4 =	vadd.s32 v1, v4;
	_ =	sdelay $0x3  }
0x1d1: {  	v3 =	vperm.xlane v3, v2  }
0x1d2: {  	[tilespmem:s10], [sflag:$0x2] =	stream.indirect_vreg.gather [hbm4b:s5+s2], $0x80, v4, vm0, $0xb8;
	[tilespmem:$0x18100] =	vst v63  }
0x1d3: {  	s31 =	simm.s32 $0xC900;
	v3 =	vadd.s32 v1, v3  }
0x1d4: {  	[tilespmem:s31], [sflag:$0x2] =	stream.indirect_vreg.gather [hbm4b:s9+s2], $0x80, v4, vm0, $0xb8;
	[tilespmem:$0x18100] =	vst v63  }
0x1d5: {  	s31 =	simm.s32 $0xD100  }
0x1d6: {  	[tilespmem:s31], [sflag:$0x2] =	stream.indirect_vreg.gather [hbm4b:s11+s2], $0x80, v4, vm0, $0xb8;
	[tilespmem:$0x18100] =	vst v63  }
0x1d7: {  	s14 =	simm.s32 $0xD900  }
0x1d8: {  	[tilespmem:s14], [sflag:$0x2] =	stream.indirect_vreg.gather [hbm4b:s5+s2], $0x80, v3, vm0, $0xb8;
	[tilespmem:$0x18100] =	vst v63  }
0x1d9: {  	s14 =	simm.s32 $0xE100  }
0x1da: {  	[tilespmem:s14], [sflag:$0x2] =	stream.indirect_vreg.gather [hbm4b:s9+s2], $0x80, v3, vm0, $0xb8;
	[tilespmem:$0x18100] =	vst v63  }
0x1db: {  	s14 =	simm.s32 $0xE900  }
0x1dc: {  	[tilespmem:s14], [sflag:$0x2] =	stream.indirect_vreg.gather [hbm4b:s11+s2], $0x80, v3, vm0, $0xb8;
	[tilespmem:$0x18100] =	vst v63  }
0x1dd: {  	v3 =	vld [tilespmem:$0x90];
	_ =	sdelay $0x4  }
0x1de: {  	v53 =	vshrl.u32 v3, $0x3  }
0x1df: {  	v4 =	vmul.u32 $0x30, v53  }
0x1e0: {  	v3 =	vand.u32 $0x7, v3  }
0x1e1: {  	v3 =	vor.u32 v3, v4  }
0x1e2: {  	v4 =	vperm.xlane v3, v0;
	_ =	sdelay $0x1  }
0x1e3: {  	v4 =	vadd.s32 v1, v4;
	_ =	sdelay $0x3  }
0x1e4: {  	s14 =	simm.s32 $0xF100;
	v3 =	vperm.xlane v3, v2  }
0x1e5: {  	[tilespmem:s14], [sflag:$0x2] =	stream.indirect_vreg.gather [hbm4b:s5+s2], $0x80, v4, vm0, $0xb8;
	[tilespmem:$0x18100] =	vst v63  }
0x1e6: {  	v3 =	vadd.s32 v1, v3;
	s14 =	simm.s32 $0xF900  }
0x1e7: {  	[tilespmem:s14], [sflag:$0x2] =	stream.indirect_vreg.gather [hbm4b:s9+s2], $0x80, v4, vm0, $0xb8;
	[tilespmem:$0x18100] =	vst v63  }
0x1e8: {  	s14 =	simm.s32 $0x10100  }
0x1e9: {  	[tilespmem:s14], [sflag:$0x2] =	stream.indirect_vreg.gather [hbm4b:s11+s2], $0x80, v4, vm0, $0xb8;
	[tilespmem:$0x18100] =	vst v63  }
0x1ea: {  	s14 =	simm.s32 $0x10900  }
0x1eb: {  	[tilespmem:s14], [sflag:$0x2] =	stream.indirect_vreg.gather [hbm4b:s5+s2], $0x80, v3, vm0, $0xb8;
	[tilespmem:$0x18100] =	vst v63  }
0x1ec: {  	s14 =	simm.s32 $0x11100  }
0x1ed: {  	[tilespmem:s14], [sflag:$0x2] =	stream.indirect_vreg.gather [hbm4b:s9+s2], $0x80, v3, vm0, $0xb8;
	[tilespmem:$0x18100] =	vst v63  }
0x1ee: {  	s14 =	simm.s32 $0x11900  }
0x1ef: {  	[tilespmem:s14], [sflag:$0x2] =	stream.indirect_vreg.gather [hbm4b:s11+s2], $0x80, v3, vm0, $0xb8;
	[tilespmem:$0x18100] =	vst v63  }
0x1f0: {  	v3 =	vld [tilespmem:$0xA0];
	_ =	sdelay $0x4  }
0x1f1: {  	v54 =	vshrl.u32 v3, $0x3  }
0x1f2: {  	v4 =	vmul.u32 $0x30, v54  }
0x1f3: {  	v3 =	vand.u32 $0x7, v3  }
0x1f4: {  	v3 =	vor.u32 v3, v4  }
0x1f5: {  	v4 =	vperm.xlane v3, v0;
	_ =	sdelay $0x1  }
0x1f6: {  	v4 =	vadd.s32 v1, v4;
	_ =	sdelay $0x3  }
0x1f7: {  	s14 =	simm.s32 $0x12100;
	v3 =	vperm.xlane v3, v2  }
0x1f8: {  	[tilespmem:s14], [sflag:$0x2] =	stream.indirect_vreg.gather [hbm4b:s5+s2], $0x80, v4, vm0, $0xb8;
	[tilespmem:$0x18100] =	vst v63  }
0x1f9: {  	v3 =	vadd.s32 v1, v3;
	s14 =	simm.s32 $0x12900  }
0x1fa: {  	[tilespmem:s14], [sflag:$0x2] =	stream.indirect_vreg.gather [hbm4b:s9+s2], $0x80, v4, vm0, $0xb8;
	[tilespmem:$0x18100] =	vst v63  }
0x1fb: {  	s14 =	simm.s32 $0x13100  }
0x1fc: {  	[tilespmem:s14], [sflag:$0x2] =	stream.indirect_vreg.gather [hbm4b:s11+s2], $0x80, v4, vm0, $0xb8;
	[tilespmem:$0x18100] =	vst v63  }
0x1fd: {  	s14 =	simm.s32 $0x13900  }
0x1fe: {  	[tilespmem:s14], [sflag:$0x2] =	stream.indirect_vreg.gather [hbm4b:s5+s2], $0x80, v3, vm0, $0xb8;
	[tilespmem:$0x18100] =	vst v63  }
0x1ff: {  	s14 =	simm.s32 $0x14100  }
0x200: {  	[tilespmem:s14], [sflag:$0x2] =	stream.indirect_vreg.gather [hbm4b:s9+s2], $0x80, v3, vm0, $0xb8;
	[tilespmem:$0x18100] =	vst v63  }
0x201: {  	s14 =	simm.s32 $0x14900  }
0x202: {  	[tilespmem:s14], [sflag:$0x2] =	stream.indirect_vreg.gather [hbm4b:s11+s2], $0x80, v3, vm0, $0xb8;
	[tilespmem:$0x18100] =	vst v63  }
0x203: {  	v3 =	vld [tilespmem:$0xB0];
	_ =	sdelay $0x4  }
0x204: {  	v55 =	vshrl.u32 v3, $0x3  }
0x205: {  	v4 =	vmul.u32 $0x30, v55  }
0x206: {  	v3 =	vand.u32 $0x7, v3  }
0x207: {  	v3 =	vor.u32 v3, v4  }
0x208: {  	v4 =	vperm.xlane v3, v0;
	_ =	sdelay $0x1  }
0x209: {  	v4 =	vadd.s32 v1, v4;
	_ =	sdelay $0x3  }
0x20a: {  	s14 =	simm.s32 $0x15100;
	v3 =	vperm.xlane v3, v2  }
0x20b: {  	[tilespmem:s14], [sflag:$0x2] =	stream.indirect_vreg.gather [hbm4b:s5+s2], $0x80, v4, vm0, $0xb8;
	[tilespmem:$0x18100] =	vst v63  }
0x20c: {  	v3 =	vadd.s32 v1, v3;
	s14 =	simm.s32 $0x15900  }
0x20d: {  	[tilespmem:s14], [sflag:$0x2] =	stream.indirect_vreg.gather [hbm4b:s9+s2], $0x80, v4, vm0, $0xb8;
	[tilespmem:$0x18100] =	vst v63  }
0x20e: {  	s14 =	simm.s32 $0x16100  }
0x20f: {  	[tilespmem:s14], [sflag:$0x2] =	stream.indirect_vreg.gather [hbm4b:s11+s2], $0x80, v4, vm0, $0xb8;
	[tilespmem:$0x18100] =	vst v63  }
0x210: {  	s14 =	simm.s32 $0x16900  }
0x211: {  	[tilespmem:s14], [sflag:$0x2] =	stream.indirect_vreg.gather [hbm4b:s5+s2], $0x80, v3, vm0, $0xb8;
	[tilespmem:$0x18100] =	vst v63  }
0x212: {  	s14 =	simm.s32 $0x17100  }
0x213: {  	[tilespmem:s14], [sflag:$0x2] =	stream.indirect_vreg.gather [hbm4b:s9+s2], $0x80, v3, vm0, $0xb8;
	[tilespmem:$0x18100] =	vst v63  }
0x214: {  	s14 =	simm.s32 $0x17900  }
0x215: {  	[tilespmem:s14], [sflag:$0x2] =	stream.indirect_vreg.gather [hbm4b:s11+s2], $0x80, v3, vm0, $0xb8;
	[tilespmem:$0x18100] =	vst v63  }
0x216: {  	_ =	swait.ge [sflag:s12], $0xC000  }
0x217: {  	[sflag:s12] =	ssyncset.done $0x0  }
0x218: {  	s14 =	rddreg [dreg:$0xc];
	[sflag:s12] =	ssyncadd.s32 $0xFFFF4000  }
0x219: {  	[hbm4b:s14+s2] =	stream.linear.scatter [tilespmem:s20], [sflag:$0x3], $0xC000, $0x38;
	[tilespmem:$0x18100] =	vst v63  }
0x21a: {  	_ =	swait.ge [sflag:s7], $0xC000  }
0x21b: {  	[sflag:s7] =	ssyncset.done $0x0  }
0x21c: {  	s14 =	rddreg [dreg:$0xd];
	[sflag:s7] =	ssyncadd.s32 $0xFFFF4000  }
0x21d: {  	[tilespmem:s2], [sflag:$0x3] =	stream.linear.gather [hbm4b:s14+s2], $0x40, $0x38;
	[tilespmem:$0x18100] =	vst v63  }
0x21e: {  	_ =	swait.ge [sflag:s7], $0x40  }
0x21f: {  	[sflag:s7] =	ssyncset.done $0x0  }
0x220: {  	[sflag:s7] =	ssyncadd.s32 $0xFFFFFFC0  }
0x221: {  	v3 =	vld [tilespmem:$0x0];
	_ =	sdelay $0x4  }
0x222: {  	v56 =	vshrl.u32 v3, $0x3  }
0x223: {  	v4 =	vmul.u32 $0x30, v56  }
0x224: {  	v3 =	vand.u32 $0x7, v3  }
0x225: {  	v3 =	vor.u32 v3, v4  }
0x226: {  	v4 =	vperm.xlane v3, v0;
	_ =	sdelay $0x1  }
0x227: {  	v4 =	vadd.s32 v1, v4;
	_ =	sdelay $0x3  }
0x228: {  	v3 =	vperm.xlane v3, v2  }
0x229: {  	[tilespmem:s20], [sflag:$0x1] =	stream.indirect_vreg.gather [hbm4b:s5+s2], $0x80, v4, vm0, $0xb8;
	[tilespmem:$0x18100] =	vst v63  }
0x22a: {  	s1 =	simm.s32 $0x900;
	v3 =	vadd.s32 v1, v3  }
0x22b: {  	[tilespmem:s1], [sflag:$0x1] =	stream.indirect_vreg.gather [hbm4b:s9+s2], $0x80, v4, vm0, $0xb8;
	[tilespmem:$0x18100] =	vst v63  }
0x22c: {  	s3 =	simm.s32 $0x1100  }
0x22d: {  	[tilespmem:s3], [sflag:$0x1] =	stream.indirect_vreg.gather [hbm4b:s11+s2], $0x80, v4, vm0, $0xb8;
	[tilespmem:$0x18100] =	vst v63  }
0x22e: {  	s4 =	simm.s32 $0x1900  }
0x22f: {  	[tilespmem:s4], [sflag:$0x1] =	stream.indirect_vreg.gather [hbm4b:s5+s2], $0x80, v3, vm0, $0xb8;
	[tilespmem:$0x18100] =	vst v63  }
0x230: {  	s8 =	simm.s32 $0x2100  }
0x231: {  	[tilespmem:s8], [sflag:$0x1] =	stream.indirect_vreg.gather [hbm4b:s9+s2], $0x80, v3, vm0, $0xb8;
	[tilespmem:$0x18100] =	vst v63  }
0x232: {  	s8 =	simm.s32 $0x2900  }
0x233: {  	[tilespmem:s8], [sflag:$0x1] =	stream.indirect_vreg.gather [hbm4b:s11+s2], $0x80, v3, vm0, $0xb8;
	[tilespmem:$0x18100] =	vst v63  }
0x234: {  	v3 =	vld [tilespmem:$0x10];
	_ =	sdelay $0x4  }
0x235: {  	v57 =	vshrl.u32 v3, $0x3  }
0x236: {  	v4 =	vmul.u32 $0x30, v57  }
0x237: {  	v3 =	vand.u32 $0x7, v3  }
0x238: {  	v3 =	vor.u32 v3, v4  }
0x239: {  	v4 =	vperm.xlane v3, v0;
	_ =	sdelay $0x1  }
0x23a: {  	v4 =	vadd.s32 v1, v4;
	_ =	sdelay $0x3  }
0x23b: {  	s14 =	simm.s32 $0x3100;
	v3 =	vperm.xlane v3, v2  }
0x23c: {  	[tilespmem:s14], [sflag:$0x1] =	stream.indirect_vreg.gather [hbm4b:s5+s2], $0x80, v4, vm0, $0xb8;
	[tilespmem:$0x18100] =	vst v63  }
0x23d: {  	s21 =	simm.s32 $0x3900;
	v3 =	vadd.s32 v1, v3  }
0x23e: {  	[tilespmem:s21], [sflag:$0x1] =	stream.indirect_vreg.gather [hbm4b:s9+s2], $0x80, v4, vm0, $0xb8;
	[tilespmem:$0x18100] =	vst v63  }
0x23f: {  	s22 =	simm.s32 $0x4100  }
0x240: {  	[tilespmem:s22], [sflag:$0x1] =	stream.indirect_vreg.gather [hbm4b:s11+s2], $0x80, v4, vm0, $0xb8;
	[tilespmem:$0x18100] =	vst v63  }
0x241: {  	s23 =	simm.s32 $0x4900  }
0x242: {  	[tilespmem:s23], [sflag:$0x1] =	stream.indirect_vreg.gather [hbm4b:s5+s2], $0x80, v3, vm0, $0xb8;
	[tilespmem:$0x18100] =	vst v63  }
0x243: {  	s24 =	simm.s32 $0x5100  }
0x244: {  	[tilespmem:s24], [sflag:$0x1] =	stream.indirect_vreg.gather [hbm4b:s9+s2], $0x80, v3, vm0, $0xb8;
	[tilespmem:$0x18100] =	vst v63  }
0x245: {  	s22 =	simm.s32 $0x5900  }
0x246: {  	[tilespmem:s22], [sflag:$0x1] =	stream.indirect_vreg.gather [hbm4b:s11+s2], $0x80, v3, vm0, $0xb8;
	[tilespmem:$0x18100] =	vst v63  }
0x247: {  	v3 =	vld [tilespmem:$0x20];
	_ =	sdelay $0x4  }
0x248: {  	v58 =	vshrl.u32 v3, $0x3  }
0x249: {  	v4 =	vmul.u32 $0x30, v58  }
0x24a: {  	v3 =	vand.u32 $0x7, v3  }
0x24b: {  	v3 =	vor.u32 v3, v4  }
0x24c: {  	v4 =	vperm.xlane v3, v0;
	_ =	sdelay $0x1  }
0x24d: {  	v4 =	vadd.s32 v1, v4;
	_ =	sdelay $0x3  }
0x24e: {  	s23 =	simm.s32 $0x6100;
	v3 =	vperm.xlane v3, v2  }
0x24f: {  	[tilespmem:s23], [sflag:$0x1] =	stream.indirect_vreg.gather [hbm4b:s5+s2], $0x80, v4, vm0, $0xb8;
	[tilespmem:$0x18100] =	vst v63  }
0x250: {  	s25 =	simm.s32 $0x6900;
	v3 =	vadd.s32 v1, v3  }
0x251: {  	[tilespmem:s25], [sflag:$0x1] =	stream.indirect_vreg.gather [hbm4b:s9+s2], $0x80, v4, vm0, $0xb8;
	[tilespmem:$0x18100] =	vst v63  }
0x252: {  	s26 =	simm.s32 $0x7100  }
0x253: {  	[tilespmem:s26], [sflag:$0x1] =	stream.indirect_vreg.gather [hbm4b:s11+s2], $0x80, v4, vm0, $0xb8;
	[tilespmem:$0x18100] =	vst v63  }
0x254: {  	s28 =	simm.s32 $0x7900  }
0x255: {  	[tilespmem:s28], [sflag:$0x1] =	stream.indirect_vreg.gather [hbm4b:s5+s2], $0x80, v3, vm0, $0xb8;
	[tilespmem:$0x18100] =	vst v63  }
0x256: {  	s29 =	simm.s32 $0x8100  }
0x257: {  	[tilespmem:s29], [sflag:$0x1] =	stream.indirect_vreg.gather [hbm4b:s9+s2], $0x80, v3, vm0, $0xb8;
	[tilespmem:$0x18100] =	vst v63  }
0x258: {  	s24 =	simm.s32 $0x8900  }
0x259: {  	[tilespmem:s24], [sflag:$0x1] =	stream.indirect_vreg.gather [hbm4b:s11+s2], $0x80, v3, vm0, $0xb8;
	[tilespmem:$0x18100] =	vst v63  }
0x25a: {  	v3 =	vld [tilespmem:$0x30];
	_ =	sdelay $0x4  }
0x25b: {  	v59 =	vshrl.u32 v3, $0x3  }
0x25c: {  	v4 =	vmul.u32 $0x30, v59  }
0x25d: {  	v3 =	vand.u32 $0x7, v3  }
0x25e: {  	v3 =	vor.u32 v3, v4  }
0x25f: {  	v4 =	vperm.xlane v3, v0;
	_ =	sdelay $0x1  }
0x260: {  	v4 =	vadd.s32 v1, v4;
	_ =	sdelay $0x3  }
0x261: {  	s17 =	simm.s32 $0x9100;
	v3 =	vperm.xlane v3, v2  }
0x262: {  	[tilespmem:s17], [sflag:$0x1] =	stream.indirect_vreg.gather [hbm4b:s5+s2], $0x80, v4, vm0, $0xb8;
	[tilespmem:$0x18100] =	vst v63  }
0x263: {  	s30 =	simm.s32 $0x9900;
	v3 =	vadd.s32 v1, v3  }
0x264: {  	[tilespmem:s30], [sflag:$0x1] =	stream.indirect_vreg.gather [hbm4b:s9+s2], $0x80, v4, vm0, $0xb8;
	[tilespmem:$0x18100] =	vst v63  }
0x265: {  	s15 =	simm.s32 $0xA100  }
0x266: {  	[tilespmem:s15], [sflag:$0x1] =	stream.indirect_vreg.gather [hbm4b:s11+s2], $0x80, v4, vm0, $0xb8;
	[tilespmem:$0x18100] =	vst v63  }
0x267: {  	s16 =	simm.s32 $0xA900  }
0x268: {  	[tilespmem:s16], [sflag:$0x1] =	stream.indirect_vreg.gather [hbm4b:s5+s2], $0x80, v3, vm0, $0xb8;
	[tilespmem:$0x18100] =	vst v63  }
0x269: {  	s18 =	simm.s32 $0xB100  }
0x26a: {  	[tilespmem:s18], [sflag:$0x1] =	stream.indirect_vreg.gather [hbm4b:s9+s2], $0x80, v3, vm0, $0xb8;
	[tilespmem:$0x18100] =	vst v63  }
0x26b: {  	s19 =	simm.s32 $0xB900  }
0x26c: {  	[tilespmem:s19], [sflag:$0x1] =	stream.indirect_vreg.gather [hbm4b:s11+s2], $0x80, v3, vm0, $0xb8;
	[tilespmem:$0x18100] =	vst v63  }
0x26d: {  	_ =	swait.ge [sflag:s13], $0xC000  }
0x26e: {  	[sflag:s13] =	ssyncset.done $0x0  }
0x26f: {  	s25 =	rddreg [dreg:$0xe];
	[sflag:s13] =	ssyncadd.s32 $0xFFFF4000  }
0x270: {  	[hbm4b:s25+s2] =	stream.linear.scatter [tilespmem:s10], [sflag:$0x3], $0xC000, $0x38;
	[tilespmem:$0x18100] =	vst v63  }
0x271: {  	_ =	swait.ge [sflag:s7], $0xC000  }
0x272: {  	[sflag:s7] =	ssyncset.done $0x0  }
0x273: {  	s0 =	simm.s32 $0x80;
	s26 =	rddreg [dreg:$0xf];
	[sflag:s7] =	ssyncadd.s32 $0xFFFF4000  }
0x274: {  	[tilespmem:s0], [sflag:$0x3] =	stream.linear.gather [hbm4b:s26+s2], $0x40, $0x38;
	[tilespmem:$0x18100] =	vst v63  }
0x275: {  	_ =	swait.ge [sflag:s7], $0x40  }
0x276: {  	[sflag:s7] =	ssyncset.done $0x0  }
0x277: {  	[sflag:s7] =	ssyncadd.s32 $0xFFFFFFC0  }
0x278: {  	v3 =	vld [tilespmem:$0x80];
	_ =	sdelay $0x4  }
0x279: {  	v60 =	vshrl.u32 v3, $0x3  }
0x27a: {  	v4 =	vmul.u32 $0x30, v60  }
0x27b: {  	v3 =	vand.u32 $0x7, v3  }
0x27c: {  	v3 =	vor.u32 v3, v4  }
0x27d: {  	v4 =	vperm.xlane v3, v0;
	_ =	sdelay $0x1  }
0x27e: {  	v4 =	vadd.s32 v1, v4;
	_ =	sdelay $0x3  }
0x27f: {  	v3 =	vperm.xlane v3, v2  }
0x280: {  	[tilespmem:s10], [sflag:$0x2] =	stream.indirect_vreg.gather [hbm4b:s5+s2], $0x80, v4, vm0, $0xb8;
	[tilespmem:$0x18100] =	vst v63  }
0x281: {  	s28 =	simm.s32 $0xC900;
	v3 =	vadd.s32 v1, v3  }
0x282: {  	[tilespmem:s28], [sflag:$0x2] =	stream.indirect_vreg.gather [hbm4b:s9+s2], $0x80, v4, vm0, $0xb8;
	[tilespmem:$0x18100] =	vst v63  }
0x283: {  	s31 =	simm.s32 $0xD100  }
0x284: {  	[tilespmem:s31], [sflag:$0x2] =	stream.indirect_vreg.gather [hbm4b:s11+s2], $0x80, v4, vm0, $0xb8;
	[tilespmem:$0x18100] =	vst v63  }
0x285: {  	s29 =	simm.s32 $0xD900  }
0x286: {  	[tilespmem:s29], [sflag:$0x2] =	stream.indirect_vreg.gather [hbm4b:s5+s2], $0x80, v3, vm0, $0xb8;
	[tilespmem:$0x18100] =	vst v63  }
0x287: {  	s30 =	simm.s32 $0xE100  }
0x288: {  	[tilespmem:s30], [sflag:$0x2] =	stream.indirect_vreg.gather [hbm4b:s9+s2], $0x80, v3, vm0, $0xb8;
	[tilespmem:$0x18100] =	vst v63  }
0x289: {  	s31 =	simm.s32 $0xE900  }
0x28a: {  	[tilespmem:s31], [sflag:$0x2] =	stream.indirect_vreg.gather [hbm4b:s11+s2], $0x80, v3, vm0, $0xb8;
	[tilespmem:$0x18100] =	vst v63  }
0x28b: {  	v3 =	vld [tilespmem:$0x90];
	_ =	sdelay $0x4  }
0x28c: {  	v61 =	vshrl.u32 v3, $0x3  }
0x28d: {  	v4 =	vmul.u32 $0x30, v61  }
0x28e: {  	v3 =	vand.u32 $0x7, v3  }
0x28f: {  	v3 =	vor.u32 v3, v4  }
0x290: {  	v4 =	vperm.xlane v3, v0;
	_ =	sdelay $0x1  }
0x291: {  	v4 =	vadd.s32 v1, v4;
	_ =	sdelay $0x3  }
0x292: {  	s1 =	simm.s32 $0xF100;
	v3 =	vperm.xlane v3, v2  }
0x293: {  	[tilespmem:s1], [sflag:$0x2] =	stream.indirect_vreg.gather [hbm4b:s5+s2], $0x80, v4, vm0, $0xb8;
	[tilespmem:$0x18100] =	vst v63  }
0x294: {  	s3 =	simm.s32 $0xF900;
	v3 =	vadd.s32 v1, v3  }
0x295: {  	[tilespmem:s3], [sflag:$0x2] =	stream.indirect_vreg.gather [hbm4b:s9+s2], $0x80, v4, vm0, $0xb8;
	[tilespmem:$0x18100] =	vst v63  }
0x296: {  	s4 =	simm.s32 $0x10100  }
0x297: {  	[tilespmem:s4], [sflag:$0x2] =	stream.indirect_vreg.gather [hbm4b:s11+s2], $0x80, v4, vm0, $0xb8;
	[tilespmem:$0x18100] =	vst v63  }
0x298: {  	s8 =	simm.s32 $0x10900  }
0x299: {  	[tilespmem:s8], [sflag:$0x2] =	stream.indirect_vreg.gather [hbm4b:s5+s2], $0x80, v3, vm0, $0xb8;
	[tilespmem:$0x18100] =	vst v63  }
0x29a: {  	s14 =	simm.s32 $0x11100  }
0x29b: {  	[tilespmem:s14], [sflag:$0x2] =	stream.indirect_vreg.gather [hbm4b:s9+s2], $0x80, v3, vm0, $0xb8;
	[tilespmem:$0x18100] =	vst v63  }
0x29c: {  	s15 =	simm.s32 $0x11900  }
0x29d: {  	[tilespmem:s15], [sflag:$0x2] =	stream.indirect_vreg.gather [hbm4b:s11+s2], $0x80, v3, vm0, $0xb8;
	[tilespmem:$0x18100] =	vst v63  }
0x29e: {  	v3 =	vld [tilespmem:$0xA0];
	_ =	sdelay $0x4  }
0x29f: {  	v62 =	vshrl.u32 v3, $0x3  }
0x2a0: {  	v4 =	vmul.u32 $0x30, v62  }
0x2a1: {  	v3 =	vand.u32 $0x7, v3  }
0x2a2: {  	v3 =	vor.u32 v3, v4  }
0x2a3: {  	v4 =	vperm.xlane v3, v0;
	_ =	sdelay $0x1  }
0x2a4: {  	v4 =	vadd.s32 v1, v4;
	_ =	sdelay $0x3  }
0x2a5: {  	s16 =	simm.s32 $0x12100;
	v3 =	vperm.xlane v3, v2  }
0x2a6: {  	[tilespmem:s16], [sflag:$0x2] =	stream.indirect_vreg.gather [hbm4b:s5+s2], $0x80, v4, vm0, $0xb8;
	[tilespmem:$0x18100] =	vst v63  }
0x2a7: {  	s17 =	simm.s32 $0x12900;
	v3 =	vadd.s32 v1, v3  }
0x2a8: {  	[tilespmem:s17], [sflag:$0x2] =	stream.indirect_vreg.gather [hbm4b:s9+s2], $0x80, v4, vm0, $0xb8;
	[tilespmem:$0x18100] =	vst v63  }
0x2a9: {  	s18 =	simm.s32 $0x13100  }
0x2aa: {  	[tilespmem:s18], [sflag:$0x2] =	stream.indirect_vreg.gather [hbm4b:s11+s2], $0x80, v4, vm0, $0xb8;
	[tilespmem:$0x18100] =	vst v63  }
0x2ab: {  	s19 =	simm.s32 $0x13900  }
0x2ac: {  	[tilespmem:s19], [sflag:$0x2] =	stream.indirect_vreg.gather [hbm4b:s5+s2], $0x80, v3, vm0, $0xb8;
	[tilespmem:$0x18100] =	vst v63  }
0x2ad: {  	s21 =	simm.s32 $0x14100  }
0x2ae: {  	[tilespmem:s21], [sflag:$0x2] =	stream.indirect_vreg.gather [hbm4b:s9+s2], $0x80, v3, vm0, $0xb8;
	[tilespmem:$0x18100] =	vst v63  }
0x2af: {  	s22 =	simm.s32 $0x14900  }
0x2b0: {  	[tilespmem:s22], [sflag:$0x2] =	stream.indirect_vreg.gather [hbm4b:s11+s2], $0x80, v3, vm0, $0xb8;
	[tilespmem:$0x18100] =	vst v63  }
0x2b1: {  	v3 =	vld [tilespmem:$0xB0];
	_ =	sdelay $0x4  }
0x2b2: {  	v63 =	vshrl.u32 v3, $0x3  }
0x2b3: {  	v4 =	vmul.u32 $0x30, v63  }
0x2b4: {  	v3 =	vand.u32 $0x7, v3  }
0x2b5: {  	v3 =	vor.u32 v3, v4  }
0x2b6: {  	v4 =	vperm.xlane v3, v0;
	_ =	sdelay $0x1  }
0x2b7: {  	v4 =	vadd.s32 v1, v4;
	_ =	sdelay $0x3  }
0x2b8: {  	s23 =	simm.s32 $0x15100;
	v3 =	vperm.xlane v3, v2  }
0x2b9: {  	[tilespmem:s23], [sflag:$0x2] =	stream.indirect_vreg.gather [hbm4b:s5+s2], $0x80, v4, vm0, $0xb8;
	[tilespmem:$0x18100] =	vst v63  }
0x2ba: {  	s24 =	simm.s32 $0x15900;
	v3 =	vadd.s32 v1, v3  }
0x2bb: {  	[tilespmem:s24], [sflag:$0x2] =	stream.indirect_vreg.gather [hbm4b:s9+s2], $0x80, v4, vm0, $0xb8;
	[tilespmem:$0x18100] =	vst v63  }
0x2bc: {  	s25 =	simm.s32 $0x16100  }
0x2bd: {  	[tilespmem:s25], [sflag:$0x2] =	stream.indirect_vreg.gather [hbm4b:s11+s2], $0x80, v4, vm0, $0xb8;
	[tilespmem:$0x18100] =	vst v63  }
0x2be: {  	s26 =	simm.s32 $0x16900  }
0x2bf: {  	[tilespmem:s26], [sflag:$0x2] =	stream.indirect_vreg.gather [hbm4b:s5+s2], $0x80, v3, vm0, $0xb8;
	[tilespmem:$0x18100] =	vst v63  }
0x2c0: {  	s28 =	simm.s32 $0x17100  }
0x2c1: {  	[tilespmem:s28], [sflag:$0x2] =	stream.indirect_vreg.gather [hbm4b:s9+s2], $0x80, v3, vm0, $0xb8;
	[tilespmem:$0x18100] =	vst v63  }
0x2c2: {  	s29 =	simm.s32 $0x17900  }
0x2c3: {  	[tilespmem:s29], [sflag:$0x2] =	stream.indirect_vreg.gather [hbm4b:s11+s2], $0x80, v3, vm0, $0xb8;
	[tilespmem:$0x18100] =	vst v63  }
0x2c4: {  	_ =	swait.ge [sflag:s12], $0xC000  }
0x2c5: {  	[sflag:s12] =	ssyncset.done $0x0  }
0x2c6: {  	s30 =	rddreg [dreg:$0x10];
	[sflag:s12] =	ssyncadd.s32 $0xFFFF4000  }
0x2c7: {  	[hbm4b:s30+s2] =	stream.linear.scatter [tilespmem:s20], [sflag:$0x3], $0xC000, $0x38;
	[tilespmem:$0x18100] =	vst v63  }
0x2c8: {  	_ =	swait.ge [sflag:s7], $0xC000  }
0x2c9: {  	[sflag:s7] =	ssyncset.done $0x0  }
0x2ca: {  	[sflag:s7] =	ssyncadd.s32 $0xFFFF4000  }
0x2cb: {  	_ =	swait.ge [sflag:s13], $0xC000  }
0x2cc: {  	p0 =	sne.s32 s6, $0x1;
	[sflag:s13] =	ssyncset.done $0x0  }
.Ltmp0:
0x2cd: {  	s31 =	rddreg [dreg:$0x11];
	[sflag:s13] =	ssyncadd.s32 $0xFFFF4000;
	(pc) =	sbr.rel @p0 .LBB2_1-.Ltmp0, $4  }
0x2ce: {  	[hbm4b:s31+s2] =	stream.linear.scatter [tilespmem:s10], [sflag:$0x3], $0xC000, $0x38;
	[tilespmem:$0x18100] =	vst v63  }
0x2cf: {  	_ =	swait.ge [sflag:s7], $0xC000  }
0x2d0: {  	[sflag:s7] =	ssyncset.done $0x0  }
0x2d1: {  	s6 =	sadd.s32 $0xFFFFFFFF, s6;
	[sflag:s7] =	ssyncadd.s32 $0xFFFF4000  }
0x2d2: {  	_ =	sfence.sel $0x180000  }
0x2d3: {  	[bflag:$0x0] =	sbarrier.arrive $0xFFFF  }
0x2d4: {  	_ =	strace $0x90000047  }
0x2d5: {  	s0 =	stileid.u32;
	[bflag:$0x2] =	sbarrier.arrive $0xFFFF  }
0x2d6: {  	p0 =	sne.s32 s0, $0x0;
	s0 =	rddreg [dreg:$0x3]  }
0x2d7: {  	s0 =	sadd.s32 @!p0 $0x100000, s0  }
0x2d8: {  	[sflag:s0] =	ssyncadd.tile.s32 @!p0 $0x1;
	_ =	shalt  }
.Lfunc_end2:
_tile_overlayer_lowered:
.L_overlay_start_2:
0x2d9: {  	(tag) =	ssettag $0x2  }
0x2da: {  	s0 =	rddreg [dreg:$0x0];
	s2 =	stileid.u32  }
0x2db: {  	s1 =	rddreg [dreg:$0x1];
	p0 =	sne.s32 s2, $0x0  }
0x2dc: {  	s3 =	rddreg [dreg:$0x2];
	[bflag:$0x3] =	sbarrier.arrive $0xFFFF;
	s2 =	simm.s32 @!p0 $0x1C03  }
0x2dd: {  	[timem:s3], [sflag:s2] =	dma.local @!p0 [hbm:s0], s1  }
0x2de: {  	s0 =	simm.s32 @!p0 $0x3  }
0x2df: {  	_ =	swait.ge @!p0 [sflag:s0], s1  }
0x2e0: {  	s1 =	ssub.s32 @!p0 $0x0, s1;
	[sflag:s0] =	ssyncset.done @!p0 $0x0  }
0x2e1: {  	[sflag:s0] =	ssyncadd.s32 @!p0 s1  }
0x2e2: {  	[bflag:$0x3] =	sbarrier.arrive $0xFFFF  }
0x2e3: {  	_ =	shalt  }

</sc_bundles>
